<compile_context>
chip_gen: v7x
topology: tpu7x:2x2x1
jax: 0.10.2.dev20260603
libtpu: 0.0.44.dev20260713+nightly
codegen_flags: <defaults>
</compile_context>

<pallas_src>
import functools

import jax
import jax.numpy as jnp
from jax import lax
from jax.experimental import pallas as pl
from jax.experimental.pallas import tpu as pltpu
from jax.experimental.pallas import tpu_sc as plsc

N = 1024
K = 8
E = N * K
H = 32
B = 4
T = 12
BT = B * T
D = BT * H
BLK = 128
NBE = E // BLK
FP = 128


def _sc_gather(s, feature, edge_src, edge_dst):
    info = plsc.get_sparse_core_info()
    nw = info.num_cores * info.num_subcores
    per_w = E // nw
    C = 32
    n_chunks = per_w // C
    mesh = plsc.VectorSubcoreMesh(core_axis_name="c", subcore_axis_name="s")

    @functools.partial(
        pl.kernel,
        mesh=mesh,
        out_type=[
            jax.ShapeDtypeStruct((E, D), jnp.float32),
            jax.ShapeDtypeStruct((E, D), jnp.float32),
            jax.ShapeDtypeStruct((E, FP), jnp.float32),
            jax.ShapeDtypeStruct((E, FP), jnp.float32),
        ],
        scratch_types=[
            pltpu.VMEM((C,), jnp.int32),
            pltpu.VMEM((C,), jnp.int32),
            pltpu.VMEM((C, D), jnp.float32),
            pltpu.VMEM((C, D), jnp.float32),
            pltpu.VMEM((C, FP), jnp.float32),
            pltpu.VMEM((C, FP), jnp.float32),
            pltpu.SemaphoreType.DMA,
            pltpu.SemaphoreType.DMA,
            pltpu.SemaphoreType.DMA,
            pltpu.SemaphoreType.DMA,
        ],
    )
    def k(s_hbm, f_hbm, src_hbm, dst_hbm, o_ss, o_ds, o_fs, o_fd,
          idx_s, idx_d, rows_s, rows_d, frows_s, frows_d,
          sem_a, sem_b, sem_c, sem_d):
        wid = lax.axis_index("s") * info.num_cores + lax.axis_index("c")
        base = wid * per_w

        def chunk(g, carry):
            off = base + g * C
            pltpu.sync_copy(src_hbm.at[pl.ds(off, C)], idx_s)
            pltpu.sync_copy(dst_hbm.at[pl.ds(off, C)], idx_d)
            c1 = pltpu.async_copy(s_hbm.at[idx_s], rows_s, sem_a)
            c2 = pltpu.async_copy(s_hbm.at[idx_d], rows_d, sem_b)
            c3 = pltpu.async_copy(f_hbm.at[idx_s], frows_s, sem_c)
            c4 = pltpu.async_copy(f_hbm.at[idx_d], frows_d, sem_d)
            c1.wait()
            c2.wait()
            c3.wait()
            c4.wait()
            s1 = pltpu.async_copy(rows_s, o_ss.at[pl.ds(off, C)], sem_a)
            s2 = pltpu.async_copy(rows_d, o_ds.at[pl.ds(off, C)], sem_b)
            s3 = pltpu.async_copy(frows_s, o_fs.at[pl.ds(off, C)], sem_c)
            s4 = pltpu.async_copy(frows_d, o_fd.at[pl.ds(off, C)], sem_d)
            s1.wait()
            s2.wait()
            s3.wait()
            s4.wait()
            return carry

        lax.fori_loop(0, n_chunks, chunk, 0)

    return k(s, feature, edge_src, edge_dst)


def _tc_body(seg_dst_ref, nseg_ref, src_ref, dst_ref, fsrc_ref, fdst_ref,
             dist_ref, lsi_ref, w1_ref, b1_ref, w2_ref, b2_ref, w3_ref,
             b3_ref, sg_ref, out_ref, num_ref, den_ref, part_ref):
    b = pl.program_id(0)

    @pl.when(b == 0)
    def _init():
        num_ref[...] = jnp.zeros_like(num_ref)
        den_ref[...] = jnp.zeros_like(den_ref)

    x = jnp.concatenate(
        [fsrc_ref[:, :H], fdst_ref[:, :H], dist_ref[...]], axis=1)
    h = 1.0 / (1.0 + jnp.exp(-(jnp.dot(x, w1_ref[...],
                                       preferred_element_type=jnp.float32)
                               + b1_ref[...])))
    h = 1.0 / (1.0 + jnp.exp(-(jnp.dot(h, w2_ref[...],
                                       preferred_element_type=jnp.float32)
                               + b2_ref[...])))
    w3d = (jnp.dot(h, w3_ref[...], preferred_element_type=jnp.float32)
           + b3_ref[...]).reshape(BLK, 2 * H, H)

    src_flat = src_ref[...]
    src3 = src_flat.reshape(BLK, BT, H)
    dst3 = dst_ref[...].reshape(BLK, BT, H)
    wt = w3d[:, :H, :]
    wb = w3d[:, H:, :]
    dn = (((2,), (1,)), ((0,), (0,)))
    alpha = (lax.dot_general(src3, wt, dn, preferred_element_type=jnp.float32)
             + lax.dot_general(dst3, wb, dn,
                               preferred_element_type=jnp.float32))
    alpha = jnp.where(alpha >= 0, alpha, 0.01 * alpha)
    ex = jnp.exp(jnp.minimum(alpha, 80.0)).reshape(BLK, D)

    payload = jnp.concatenate([ex * src_flat, ex], axis=1)

    lsi = jnp.broadcast_to(lsi_ref[0], (BLK, BLK))
    pt = (lax.broadcasted_iota(jnp.int32, (BLK, BLK), 0) == lsi)
    part_ref[...] = jnp.dot(pt.astype(jnp.float32), payload,
                            preferred_element_type=jnp.float32)

    ns = nseg_ref[b]

    def scatter(j, carry):
        d = seg_dst_ref[b * BLK + j]
        num_ref[pl.ds(d, 1), :] = (num_ref[pl.ds(d, 1), :]
                                   + part_ref[pl.ds(j, 1), :D])
        den_ref[pl.ds(d, 1), :] = (den_ref[pl.ds(d, 1), :]
                                   + part_ref[pl.ds(j, 1), D:])
        return carry

    lax.fori_loop(0, ns, scatter, 0)

    @pl.when(b == NBE - 1)
    def _final():
        den = den_ref[...]
        dsafe = jnp.where(den > 0, den, 1.0)
        out_ref[...] = jnp.maximum(num_ref[...] / dsafe, 0.0) * sg_ref[0, 0]


def _tc_compute(src_st, dst_st, fsrc, fdst, edge_dist, lsi, seg_dst, nseg,
                W1, b1, W2, b2, W3, b3, sg):
    grid_spec = pltpu.PrefetchScalarGridSpec(
        num_scalar_prefetch=2,
        grid=(NBE,),
        in_specs=[
            pl.BlockSpec((BLK, D), lambda b, *_: (b, 0)),
            pl.BlockSpec((BLK, D), lambda b, *_: (b, 0)),
            pl.BlockSpec((BLK, FP), lambda b, *_: (b, 0)),
            pl.BlockSpec((BLK, FP), lambda b, *_: (b, 0)),
            pl.BlockSpec((BLK, 1), lambda b, *_: (b, 0)),
            pl.BlockSpec((1, 1, BLK), lambda b, *_: (b, 0, 0)),
            pl.BlockSpec((2 * H + 1, 32), lambda b, *_: (0, 0)),
            pl.BlockSpec((1, 32), lambda b, *_: (0, 0)),
            pl.BlockSpec((32, 16), lambda b, *_: (0, 0)),
            pl.BlockSpec((1, 16), lambda b, *_: (0, 0)),
            pl.BlockSpec((16, 2 * H * H), lambda b, *_: (0, 0)),
            pl.BlockSpec((1, 2 * H * H), lambda b, *_: (0, 0)),
            pl.BlockSpec(memory_space=pltpu.SMEM),
        ],
        out_specs=pl.BlockSpec((N, D), lambda b, *_: (0, 0)),
        scratch_shapes=[
            pltpu.VMEM((N, D), jnp.float32),
            pltpu.VMEM((N, D), jnp.float32),
            pltpu.VMEM((BLK, 2 * D), jnp.float32),
        ],
    )
    return pl.pallas_call(
        _tc_body,
        grid_spec=grid_spec,
        out_shape=jax.ShapeDtypeStruct((N, D), jnp.float32),
    )(seg_dst, nseg, src_st, dst_st, fsrc, fdst, edge_dist, lsi,
      W1, b1, W2, b2, W3, b3, sg)


def kernel(state, feature, edge_dist, W1, b1, W2, b2, W3, b3, gate,
           edge_src, edge_dst):
    s = jnp.transpose(state, (2, 0, 1, 3)).reshape(N, D)

    feature_p = jnp.pad(feature, ((0, 0), (0, FP - H)))
    src_st, dst_st, fsrc, fdst = _sc_gather(s, feature_p, edge_src, edge_dst)

    prev = jnp.concatenate([jnp.full((1,), -1, jnp.int32), edge_dst[:-1]])
    pos = jnp.arange(E, dtype=jnp.int32) % BLK
    is_start = (edge_dst != prev) | (pos == 0)
    lsi = jnp.cumsum(is_start.reshape(NBE, BLK).astype(jnp.int32),
                     axis=1) - 1
    nseg = lsi[:, -1] + 1
    seg_dst = jnp.zeros((NBE, BLK), jnp.int32).at[
        jnp.arange(E, dtype=jnp.int32) // BLK, lsi.reshape(-1)
    ].set(edge_dst).reshape(-1)

    out2d = _tc_compute(
        src_st, dst_st, fsrc, fdst, edge_dist,
        lsi.reshape(NBE, 1, BLK), seg_dst, nseg,
        W1, b1.reshape(1, -1), W2, b2.reshape(1, -1), W3,
        b3.reshape(1, -1), jax.nn.sigmoid(gate))

    return jnp.transpose(out2d.reshape(N, B, T, H), (1, 2, 0, 3))

# --- scband reference (transcript-rebuilt; emitter-appended) ---
"""Pipeline reference for scband-meta-gat-38714835206792 (READ-ONLY COPY).

The authoritative reference and input builder live on the scoring server;
editing this copy changes nothing except your own understanding.
"""

import jax, jax.numpy as jnp
import numpy as np

N = 1024
K = 8
E = N * K
H = 32  # hid_size == feat_size
B = 4
T = 12
META = [32, 16]


def _mlp(x, W1, b1, W2, b2, W3, b3):
    # MLP([2H+1] + meta_hiddens + [2H*H], Sigmoid, out_act=False)
    h = jax.nn.sigmoid(x @ W1 + b1)
    h = jax.nn.sigmoid(h @ W2 + b2)
    return h @ W3 + b3


def setup_inputs(seed: int = 0) -> dict:
    key = jax.random.key(seed)
    ks = jax.random.split(key, 12)
    state = jax.random.normal(ks[0], (B, T, N, H), jnp.float32)
    feature = jax.random.normal(ks[1], (N, H), jnp.float32)
    edge_src = jax.random.randint(ks[2], (E,), 0, N, dtype=jnp.int32)
    edge_dst = jnp.sort(jax.random.randint(ks[3], (E,), 0, N, dtype=jnp.int32))
    edge_dist = jax.random.uniform(ks[4], (E, 1), jnp.float32)
    d_in = 2 * H + 1
    d_out = 2 * H * H
    W1 = jax.random.normal(ks[5], (d_in, META[0]), jnp.float32) * (1.0 / np.sqrt(d_in))
    b1 = jnp.zeros((META[0],), jnp.float32)
    W2 = jax.random.normal(ks[6], (META[0], META[1]), jnp.float32) * (1.0 / np.sqrt(META[0]))
    b2 = jnp.zeros((META[1],), jnp.float32)
    W3 = jax.random.normal(ks[7], (META[1], d_out), jnp.float32) * (1.0 / np.sqrt(META[1]))
    b3 = jnp.zeros((d_out,), jnp.float32)
    gate = jnp.zeros((1, 1), jnp.float32)  # self.weight = torch.zeros(1,1)
    return {"state": state, "feature": feature, "edge_dist": edge_dist,
            "W1": W1, "b1": b1, "W2": W2, "b2": b2, "W3": W3, "b3": b3,
            "gate": gate, "edge_src": edge_src, "edge_dst": edge_dst}


def reference(state, feature, edge_dist, W1, b1, W2, b2, W3, b3, gate, edge_src, edge_dst):
    # state: [B,T,N,H] -> node-first [N,B,T,H]  (unsqueeze/transpose/squeeze in torch)
    s = jnp.transpose(state, (2, 0, 1, 3))
    src_state = s[edge_src]                      # [E,B,T,H] gather
    dst_state = s[edge_dst]                      # [E,B,T,H] gather
    state_cat = jnp.concatenate([src_state, dst_state], axis=-1)   # [E,B,T,2H]
    feat_cat = jnp.concatenate([feature[edge_src], feature[edge_dst], edge_dist], axis=-1)  # [E,2H+1]
    w = _mlp(feat_cat, W1, b1, W2, b2, W3, b3).reshape(E, 2 * H, H)  # per-edge weight
    st = state_cat.reshape(E, -1, 2 * H)          # [E, B*T, 2H]
    alpha = jax.nn.leaky_relu(jnp.einsum('ebf,efh->ebh', st, w), negative_slope=0.01)
    alpha = alpha.reshape(E, B, T, H)
    # DGL msg_reduce: softmax over incoming edges per dst node == segment softmax
    mx = jax.ops.segment_max(alpha, edge_dst, num_segments=N)      # [N,B,T,H]
    mx = jnp.where(jnp.isfinite(mx), mx, 0.0)
    ex = jnp.exp(alpha - mx[edge_dst])
    den = jax.ops.segment_sum(ex, edge_dst, num_segments=N)
    soft = ex / den[edge_dst]
    agg = jax.ops.segment_sum(soft * src_state, edge_dst, num_segments=N)  # [N,B,T,H]; empty mailbox -> 0 (zero_initializer)
    new_state = jax.nn.relu(agg) * jax.nn.sigmoid(gate[0, 0])
    return jnp.transpose(new_state, (1, 2, 0, 3))  # back to [B,T,N,H]

if __name__ == "__main__":
    import jax
    _d = setup_inputs()
    print(jax.jit(kernel)(*tuple(_d.values())))

</pallas_src>

<mosaic_0001>
#map = affine_map<(d0, d1) -> (0, 0)>
#map1 = affine_map<(d0, d1) -> (0)>
module attributes {stable_mosaic.version = 14 : i64} {
  func.func @k(%arg0: i32, %arg1: i32, %arg2: memref<1024x1536xf32, #tpu.memory_space<hbm>>, %arg3: memref<1024x128xf32, #tpu.memory_space<hbm>>, %arg4: memref<8192xi32, #tpu.memory_space<hbm>>, %arg5: memref<8192xi32, #tpu.memory_space<hbm>>, %arg6: memref<8192x1536xf32, #tpu.memory_space<hbm>>, %arg7: memref<8192x1536xf32, #tpu.memory_space<hbm>>, %arg8: memref<8192x128xf32, #tpu.memory_space<hbm>>, %arg9: memref<8192x128xf32, #tpu.memory_space<hbm>>, %arg10: memref<32xi32, #tpu.memory_space<vmem>>, %arg11: memref<32xi32, #tpu.memory_space<vmem>>, %arg12: memref<32x1536xf32, #tpu.memory_space<vmem>>, %arg13: memref<32x1536xf32, #tpu.memory_space<vmem>>, %arg14: memref<32x128xf32, #tpu.memory_space<vmem>>, %arg15: memref<32x128xf32, #tpu.memory_space<vmem>>, %arg16: memref<!tpu.dma_semaphore, #tpu.memory_space<semaphore_mem>>, %arg17: memref<!tpu.dma_semaphore, #tpu.memory_space<semaphore_mem>>, %arg18: memref<!tpu.dma_semaphore, #tpu.memory_space<semaphore_mem>>, %arg19: memref<!tpu.dma_semaphore, #tpu.memory_space<semaphore_mem>>) attributes {dimension_semantics = [#tpu.dimension_semantics<core_parallel>, #tpu.dimension_semantics<subcore_parallel>], iteration_bounds = array<i64: 2, 16>, scalar_prefetch = 0 : i64, scratch_operands = 10 : i64, tpu.core_type = #tpu.core_type<sc_vector_subcore>, window_params = [{transform_indices = #map}, {transform_indices = #map}, {transform_indices = #map1}, {transform_indices = #map1}, {transform_indices = #map}, {transform_indices = #map}, {transform_indices = #map}, {transform_indices = #map}]} {
    %mul3A = arith.constant 2 : i32
    %mul3A_0 = arith.muli %arg1, %mul3A : i32
    %add3A = arith.addi %mul3A_0, %arg0 : i32
    %mul3A_1 = arith.constant 256 : i32
    %mul3A_2 = arith.muli %add3A, %mul3A_1 : i32
    %scan3A = arith.constant 0 : i32
    %scan3A_3 = arith.constant 0 : i32
    %scan3A_4 = arith.constant 8 : i32
    %scan3A_5 = arith.addi %scan3A_3, %scan3A_4 : i32
    %scan3A_6 = arith.constant 1 : i32
    scf.for %scan3A_8 = %scan3A_3 to %scan3A_5 step %scan3A_6  : i32 {
      %mul3A_9 = arith.constant 32 : i32
      %mul3A_10 = arith.muli %scan3A_8, %mul3A_9 : i32
      %add3A_11 = arith.addi %mul3A_2, %mul3A_10 : i32
      "tpu.region"() ({
        %run_scoped3A = tpu.sem_alloc : memref<!tpu.dma_semaphore, #tpu.memory_space<semaphore_mem>>
        %dma_start3A_66 = tpu.memref_slice %arg4[%add3A_11] : memref<8192xi32, #tpu.memory_space<hbm>> -> memref<32xi32, #tpu.memory_space<hbm>>
        %dma_start3A_67 = tpu.memref_slice %arg4[%add3A_11] : memref<8192xi32, #tpu.memory_space<hbm>> -> memref<32xi32, #tpu.memory_space<hbm>>
        tpu.enqueue_dma source(%dma_start3A_67 : memref<32xi32, #tpu.memory_space<hbm>>) target(%arg10 : memref<32xi32, #tpu.memory_space<vmem>>) target_semaphore(%run_scoped3A : memref<!tpu.dma_semaphore, #tpu.memory_space<semaphore_mem>>)
        %dma_wait3A_68 = tpu.memref_slice %arg4[%add3A_11] : memref<8192xi32, #tpu.memory_space<hbm>> -> memref<32xi32, #tpu.memory_space<hbm>>
        %dma_wait3A_69 = tpu.memref_slice %arg4[%add3A_11] : memref<8192xi32, #tpu.memory_space<hbm>> -> memref<32xi32, #tpu.memory_space<hbm>>
        tpu.wait_dma2 semaphore(%run_scoped3A : memref<!tpu.dma_semaphore, #tpu.memory_space<semaphore_mem>>) src(%dma_wait3A_69 : memref<32xi32, #tpu.memory_space<hbm>>) dst(%arg10 : memref<32xi32, #tpu.memory_space<vmem>>)
        tpu.yield
      }) : () -> ()
      "tpu.region"() ({
        %run_scoped3A = tpu.sem_alloc : memref<!tpu.dma_semaphore, #tpu.memory_space<semaphore_mem>>
        %dma_start3A_66 = tpu.memref_slice %arg5[%add3A_11] : memref<8192xi32, #tpu.memory_space<hbm>> -> memref<32xi32, #tpu.memory_space<hbm>>
        %dma_start3A_67 = tpu.memref_slice %arg5[%add3A_11] : memref<8192xi32, #tpu.memory_space<hbm>> -> memref<32xi32, #tpu.memory_space<hbm>>
        tpu.enqueue_dma source(%dma_start3A_67 : memref<32xi32, #tpu.memory_space<hbm>>) target(%arg11 : memref<32xi32, #tpu.memory_space<vmem>>) target_semaphore(%run_scoped3A : memref<!tpu.dma_semaphore, #tpu.memory_space<semaphore_mem>>)
        %dma_wait3A_68 = tpu.memref_slice %arg5[%add3A_11] : memref<8192xi32, #tpu.memory_space<hbm>> -> memref<32xi32, #tpu.memory_space<hbm>>
        %dma_wait3A_69 = tpu.memref_slice %arg5[%add3A_11] : memref<8192xi32, #tpu.memory_space<hbm>> -> memref<32xi32, #tpu.memory_space<hbm>>
        tpu.wait_dma2 semaphore(%run_scoped3A : memref<!tpu.dma_semaphore, #tpu.memory_space<semaphore_mem>>) src(%dma_wait3A_69 : memref<32xi32, #tpu.memory_space<hbm>>) dst(%arg11 : memref<32xi32, #tpu.memory_space<vmem>>)
        tpu.yield
      }) : () -> ()
      %dma_start3A = arith.constant 0 : i32
      %dma_start3A_12 = arith.constant 0 : i32
      %dma_start3A_13 = tpu.memref_slice %arg2[%dma_start3A, %dma_start3A_12] : memref<1024x1536xf32, #tpu.memory_space<hbm>> -> memref<1024x1536xf32, #tpu.memory_space<hbm>>
      tpu.enqueue_indirect_dma source(%dma_start3A_13 : memref<1024x1536xf32, #tpu.memory_space<hbm>>) target(%arg12 : memref<32x1536xf32, #tpu.memory_space<vmem>>) offsets(%arg10 : memref<32xi32, #tpu.memory_space<vmem>>) semaphore(%arg16 : memref<!tpu.dma_semaphore, #tpu.memory_space<semaphore_mem>>)
      %dma_start3A_14 = arith.constant 0 : i32
      %dma_start3A_15 = arith.constant 0 : i32
      %dma_start3A_16 = tpu.memref_slice %arg2[%dma_start3A_14, %dma_start3A_15] : memref<1024x1536xf32, #tpu.memory_space<hbm>> -> memref<1024x1536xf32, #tpu.memory_space<hbm>>
      tpu.enqueue_indirect_dma source(%dma_start3A_16 : memref<1024x1536xf32, #tpu.memory_space<hbm>>) target(%arg13 : memref<32x1536xf32, #tpu.memory_space<vmem>>) offsets(%arg11 : memref<32xi32, #tpu.memory_space<vmem>>) semaphore(%arg17 : memref<!tpu.dma_semaphore, #tpu.memory_space<semaphore_mem>>)
      %dma_start3A_17 = arith.constant 0 : i32
      %dma_start3A_18 = arith.constant 0 : i32
      %dma_start3A_19 = tpu.memref_slice %arg3[%dma_start3A_17, %dma_start3A_18] : memref<1024x128xf32, #tpu.memory_space<hbm>> -> memref<1024x128xf32, #tpu.memory_space<hbm>>
      tpu.enqueue_indirect_dma source(%dma_start3A_19 : memref<1024x128xf32, #tpu.memory_space<hbm>>) target(%arg14 : memref<32x128xf32, #tpu.memory_space<vmem>>) offsets(%arg10 : memref<32xi32, #tpu.memory_space<vmem>>) semaphore(%arg18 : memref<!tpu.dma_semaphore, #tpu.memory_space<semaphore_mem>>)
      %dma_start3A_20 = arith.constant 0 : i32
      %dma_start3A_21 = arith.constant 0 : i32
      %dma_start3A_22 = tpu.memref_slice %arg3[%dma_start3A_20, %dma_start3A_21] : memref<1024x128xf32, #tpu.memory_space<hbm>> -> memref<1024x128xf32, #tpu.memory_space<hbm>>
      tpu.enqueue_indirect_dma source(%dma_start3A_22 : memref<1024x128xf32, #tpu.memory_space<hbm>>) target(%arg15 : memref<32x128xf32, #tpu.memory_space<vmem>>) offsets(%arg11 : memref<32xi32, #tpu.memory_space<vmem>>) semaphore(%arg19 : memref<!tpu.dma_semaphore, #tpu.memory_space<semaphore_mem>>)
      %dma_wait3A = arith.constant 0 : i32
      %dma_wait3A_23 = arith.constant 0 : i32
      %dma_wait3A_24 = tpu.memref_slice %arg2[%dma_wait3A, %dma_wait3A_23] : memref<1024x1536xf32, #tpu.memory_space<hbm>> -> memref<1024x1536xf32, #tpu.memory_space<hbm>>
      tpu.wait_indirect_dma semaphore(%arg16 : memref<!tpu.dma_semaphore, #tpu.memory_space<semaphore_mem>>) src(%dma_wait3A_24 : memref<1024x1536xf32, #tpu.memory_space<hbm>>) dst(%arg12 : memref<32x1536xf32, #tpu.memory_space<vmem>>)
      %dma_wait3A_25 = arith.constant 0 : i32
      %dma_wait3A_26 = arith.constant 0 : i32
      %dma_wait3A_27 = tpu.memref_slice %arg2[%dma_wait3A_25, %dma_wait3A_26] : memref<1024x1536xf32, #tpu.memory_space<hbm>> -> memref<1024x1536xf32, #tpu.memory_space<hbm>>
      tpu.wait_indirect_dma semaphore(%arg17 : memref<!tpu.dma_semaphore, #tpu.memory_space<semaphore_mem>>) src(%dma_wait3A_27 : memref<1024x1536xf32, #tpu.memory_space<hbm>>) dst(%arg13 : memref<32x1536xf32, #tpu.memory_space<vmem>>)
      %dma_wait3A_28 = arith.constant 0 : i32
      %dma_wait3A_29 = arith.constant 0 : i32
      %dma_wait3A_30 = tpu.memref_slice %arg3[%dma_wait3A_28, %dma_wait3A_29] : memref<1024x128xf32, #tpu.memory_space<hbm>> -> memref<1024x128xf32, #tpu.memory_space<hbm>>
      tpu.wait_indirect_dma semaphore(%arg18 : memref<!tpu.dma_semaphore, #tpu.memory_space<semaphore_mem>>) src(%dma_wait3A_30 : memref<1024x128xf32, #tpu.memory_space<hbm>>) dst(%arg14 : memref<32x128xf32, #tpu.memory_space<vmem>>)
      %dma_wait3A_31 = arith.constant 0 : i32
      %dma_wait3A_32 = arith.constant 0 : i32
      %dma_wait3A_33 = tpu.memref_slice %arg3[%dma_wait3A_31, %dma_wait3A_32] : memref<1024x128xf32, #tpu.memory_space<hbm>> -> memref<1024x128xf32, #tpu.memory_space<hbm>>
      tpu.wait_indirect_dma semaphore(%arg19 : memref<!tpu.dma_semaphore, #tpu.memory_space<semaphore_mem>>) src(%dma_wait3A_33 : memref<1024x128xf32, #tpu.memory_space<hbm>>) dst(%arg15 : memref<32x128xf32, #tpu.memory_space<vmem>>)
      %dma_start3A_34 = arith.constant 0 : i32
      %dma_start3A_35 = tpu.memref_slice %arg6[%add3A_11, %dma_start3A_34] : memref<8192x1536xf32, #tpu.memory_space<hbm>> -> memref<32x1536xf32, #tpu.memory_space<hbm>>
      %dma_start3A_36 = arith.constant 0 : i32
      %dma_start3A_37 = tpu.memref_slice %arg6[%add3A_11, %dma_start3A_36] : memref<8192x1536xf32, #tpu.memory_space<hbm>> -> memref<32x1536xf32, #tpu.memory_space<hbm>>
      tpu.enqueue_dma source(%arg12 : memref<32x1536xf32, #tpu.memory_space<vmem>>) target(%dma_start3A_37 : memref<32x1536xf32, #tpu.memory_space<hbm>>) target_semaphore(%arg16 : memref<!tpu.dma_semaphore, #tpu.memory_space<semaphore_mem>>)
      %dma_start3A_38 = arith.constant 0 : i32
      %dma_start3A_39 = tpu.memref_slice %arg7[%add3A_11, %dma_start3A_38] : memref<8192x1536xf32, #tpu.memory_space<hbm>> -> memref<32x1536xf32, #tpu.memory_space<hbm>>
      %dma_start3A_40 = arith.constant 0 : i32
      %dma_start3A_41 = tpu.memref_slice %arg7[%add3A_11, %dma_start3A_40] : memref<8192x1536xf32, #tpu.memory_space<hbm>> -> memref<32x1536xf32, #tpu.memory_space<hbm>>
      tpu.enqueue_dma source(%arg13 : memref<32x1536xf32, #tpu.memory_space<vmem>>) target(%dma_start3A_41 : memref<32x1536xf32, #tpu.memory_space<hbm>>) target_semaphore(%arg17 : memref<!tpu.dma_semaphore, #tpu.memory_space<semaphore_mem>>)
      %dma_start3A_42 = arith.constant 0 : i32
      %dma_start3A_43 = tpu.memref_slice %arg8[%add3A_11, %dma_start3A_42] : memref<8192x128xf32, #tpu.memory_space<hbm>> -> memref<32x128xf32, #tpu.memory_space<hbm>>
      %dma_start3A_44 = arith.constant 0 : i32
      %dma_start3A_45 = tpu.memref_slice %arg8[%add3A_11, %dma_start3A_44] : memref<8192x128xf32, #tpu.memory_space<hbm>> -> memref<32x128xf32, #tpu.memory_space<hbm>>
      tpu.enqueue_dma source(%arg14 : memref<32x128xf32, #tpu.memory_space<vmem>>) target(%dma_start3A_45 : memref<32x128xf32, #tpu.memory_space<hbm>>) target_semaphore(%arg18 : memref<!tpu.dma_semaphore, #tpu.memory_space<semaphore_mem>>)
      %dma_start3A_46 = arith.constant 0 : i32
      %dma_start3A_47 = tpu.memref_slice %arg9[%add3A_11, %dma_start3A_46] : memref<8192x128xf32, #tpu.memory_space<hbm>> -> memref<32x128xf32, #tpu.memory_space<hbm>>
      %dma_start3A_48 = arith.constant 0 : i32
      %dma_start3A_49 = tpu.memref_slice %arg9[%add3A_11, %dma_start3A_48] : memref<8192x128xf32, #tpu.memory_space<hbm>> -> memref<32x128xf32, #tpu.memory_space<hbm>>
      tpu.enqueue_dma source(%arg15 : memref<32x128xf32, #tpu.memory_space<vmem>>) target(%dma_start3A_49 : memref<32x128xf32, #tpu.memory_space<hbm>>) target_semaphore(%arg19 : memref<!tpu.dma_semaphore, #tpu.memory_space<semaphore_mem>>)
      %dma_wait3A_50 = arith.constant 0 : i32
      %dma_wait3A_51 = tpu.memref_slice %arg6[%add3A_11, %dma_wait3A_50] : memref<8192x1536xf32, #tpu.memory_space<hbm>> -> memref<32x1536xf32, #tpu.memory_space<hbm>>
      %dma_wait3A_52 = arith.constant 0 : i32
      %dma_wait3A_53 = tpu.memref_slice %arg6[%add3A_11, %dma_wait3A_52] : memref<8192x1536xf32, #tpu.memory_space<hbm>> -> memref<32x1536xf32, #tpu.memory_space<hbm>>
      tpu.wait_dma2 semaphore(%arg16 : memref<!tpu.dma_semaphore, #tpu.memory_space<semaphore_mem>>) src(%arg12 : memref<32x1536xf32, #tpu.memory_space<vmem>>) dst(%dma_wait3A_53 : memref<32x1536xf32, #tpu.memory_space<hbm>>)
      %dma_wait3A_54 = arith.constant 0 : i32
      %dma_wait3A_55 = tpu.memref_slice %arg7[%add3A_11, %dma_wait3A_54] : memref<8192x1536xf32, #tpu.memory_space<hbm>> -> memref<32x1536xf32, #tpu.memory_space<hbm>>
      %dma_wait3A_56 = arith.constant 0 : i32
      %dma_wait3A_57 = tpu.memref_slice %arg7[%add3A_11, %dma_wait3A_56] : memref<8192x1536xf32, #tpu.memory_space<hbm>> -> memref<32x1536xf32, #tpu.memory_space<hbm>>
      tpu.wait_dma2 semaphore(%arg17 : memref<!tpu.dma_semaphore, #tpu.memory_space<semaphore_mem>>) src(%arg13 : memref<32x1536xf32, #tpu.memory_space<vmem>>) dst(%dma_wait3A_57 : memref<32x1536xf32, #tpu.memory_space<hbm>>)
      %dma_wait3A_58 = arith.constant 0 : i32
      %dma_wait3A_59 = tpu.memref_slice %arg8[%add3A_11, %dma_wait3A_58] : memref<8192x128xf32, #tpu.memory_space<hbm>> -> memref<32x128xf32, #tpu.memory_space<hbm>>
      %dma_wait3A_60 = arith.constant 0 : i32
      %dma_wait3A_61 = tpu.memref_slice %arg8[%add3A_11, %dma_wait3A_60] : memref<8192x128xf32, #tpu.memory_space<hbm>> -> memref<32x128xf32, #tpu.memory_space<hbm>>
      tpu.wait_dma2 semaphore(%arg18 : memref<!tpu.dma_semaphore, #tpu.memory_space<semaphore_mem>>) src(%arg14 : memref<32x128xf32, #tpu.memory_space<vmem>>) dst(%dma_wait3A_61 : memref<32x128xf32, #tpu.memory_space<hbm>>)
      %dma_wait3A_62 = arith.constant 0 : i32
      %dma_wait3A_63 = tpu.memref_slice %arg9[%add3A_11, %dma_wait3A_62] : memref<8192x128xf32, #tpu.memory_space<hbm>> -> memref<32x128xf32, #tpu.memory_space<hbm>>
      %dma_wait3A_64 = arith.constant 0 : i32
      %dma_wait3A_65 = tpu.memref_slice %arg9[%add3A_11, %dma_wait3A_64] : memref<8192x128xf32, #tpu.memory_space<hbm>> -> memref<32x128xf32, #tpu.memory_space<hbm>>
      tpu.wait_dma2 semaphore(%arg19 : memref<!tpu.dma_semaphore, #tpu.memory_space<semaphore_mem>>) src(%arg15 : memref<32x128xf32, #tpu.memory_space<vmem>>) dst(%dma_wait3A_65 : memref<32x128xf32, #tpu.memory_space<hbm>>)
    }
    %scan3A_7 = arith.constant 8 : i32
    return
  }
}

module attributes {stable_mosaic.version = 14 : i64} {
  func.func @_tc_body(%arg0: i32, %arg1: memref<8192xi32, #tpu.memory_space<smem>>, %arg2: memref<64xi32, #tpu.memory_space<smem>>, %arg3: memref<128x1536xf32, #tpu.memory_space<vmem>>, %arg4: memref<128x1536xf32, #tpu.memory_space<vmem>>, %arg5: memref<128x128xf32, #tpu.memory_space<vmem>>, %arg6: memref<128x128xf32, #tpu.memory_space<vmem>>, %arg7: memref<128x1xf32, #tpu.memory_space<vmem>>, %arg8: memref<1x1x128xi32, #tpu.memory_space<vmem>>, %arg9: memref<65x32xf32, #tpu.memory_space<vmem>>, %arg10: memref<1x32xf32, #tpu.memory_space<vmem>>, %arg11: memref<32x16xf32, #tpu.memory_space<vmem>>, %arg12: memref<1x16xf32, #tpu.memory_space<vmem>>, %arg13: memref<16x2048xf32, #tpu.memory_space<vmem>>, %arg14: memref<1x2048xf32, #tpu.memory_space<vmem>>, %arg15: memref<1x1xf32, #tpu.memory_space<smem>>, %arg16: memref<1024x1536xf32, #tpu.memory_space<vmem>>, %arg17: memref<1024x1536xf32, #tpu.memory_space<vmem>>, %arg18: memref<1024x1536xf32, #tpu.memory_space<vmem>>, %arg19: memref<128x3072xf32, #tpu.memory_space<vmem>>) attributes {dimension_semantics = [#tpu.dimension_semantics<arbitrary>], iteration_bounds = array<i64: 64>, scalar_prefetch = 2 : i64, scratch_operands = 3 : i64, tpu.core_type = #tpu.core_type<tc>, window_params = [{transform_indices = @transform_0, window_bounds = array<i64: 128, 1536>}, {transform_indices = @transform_1, window_bounds = array<i64: 128, 1536>}, {transform_indices = @transform_2, window_bounds = array<i64: 128, 128>}, {transform_indices = @transform_3, window_bounds = array<i64: 128, 128>}, {transform_indices = @transform_4, window_bounds = array<i64: 128, 1>}, {transform_indices = @transform_5, window_bounds = array<i64: 1, 1, 128>}, {pipeline_mode = #tpu.pipeline_mode<synchronous>, transform_indices = @transform_6, window_bounds = array<i64: 65, 32>}, {pipeline_mode = #tpu.pipeline_mode<synchronous>, transform_indices = @transform_7, window_bounds = array<i64: 1, 32>}, {pipeline_mode = #tpu.pipeline_mode<synchronous>, transform_indices = @transform_8, window_bounds = array<i64: 32, 16>}, {pipeline_mode = #tpu.pipeline_mode<synchronous>, transform_indices = @transform_9, window_bounds = array<i64: 1, 16>}, {pipeline_mode = #tpu.pipeline_mode<synchronous>, transform_indices = @transform_10, window_bounds = array<i64: 16, 2048>}, {pipeline_mode = #tpu.pipeline_mode<synchronous>, transform_indices = @transform_11, window_bounds = array<i64: 1, 2048>}, {transform_indices = @transform_12, window_bounds = array<i64: 1, 1>}, {pipeline_mode = #tpu.pipeline_mode<synchronous>, transform_indices = @transform_13, window_bounds = array<i64: 1024, 1536>}]} {
    %eq3A = arith.constant 0 : i32
    %eq3A_0 = arith.cmpi eq, %arg0, %eq3A : i32
    %convert_element_type3A = arith.extui %eq3A_0 : i1 to i32
    %cond3A = arith.constant 0 : i32
    %cond3A_1 = arith.cmpi ne, %convert_element_type3A, %cond3A : i32
    scf.if %cond3A_1 {
      %broadcast_in_dim3A_108 = arith.constant 0.000000e+00 : f32
      %broadcast_in_dim3A_109 = vector.broadcast %broadcast_in_dim3A_108 : f32 to vector<1024x1536xf32>
      %swap3A_110 = arith.constant 0 : index
      %swap3A_111 = arith.constant 0 : index
      %swap3A_112 = vector.load %arg17[%swap3A_110, %swap3A_111] : memref<1024x1536xf32, #tpu.memory_space<vmem>>, vector<1024x1536xf32>
      tpu.vector_store %arg17[%swap3A_110, %swap3A_111], %broadcast_in_dim3A_109 {strides = array<i32>} : memref<1024x1536xf32, #tpu.memory_space<vmem>>, vector<1024x1536xf32>,
      %broadcast_in_dim3A_113 = arith.constant 0.000000e+00 : f32
      %broadcast_in_dim3A_114 = vector.broadcast %broadcast_in_dim3A_113 : f32 to vector<1024x1536xf32>
      %swap3A_115 = arith.constant 0 : index
      %swap3A_116 = arith.constant 0 : index
      %swap3A_117 = vector.load %arg18[%swap3A_115, %swap3A_116] : memref<1024x1536xf32, #tpu.memory_space<vmem>>, vector<1024x1536xf32>
      tpu.vector_store %arg18[%swap3A_115, %swap3A_116], %broadcast_in_dim3A_114 {strides = array<i32>} : memref<1024x1536xf32, #tpu.memory_space<vmem>>, vector<1024x1536xf32>,
    } else {
    }
    %get3A = arith.constant 0 : index
    %get3A_2 = arith.constant 0 : index
    %get3A_3 = vector.load %arg5[%get3A, %get3A_2] : memref<128x128xf32, #tpu.memory_space<vmem>>, vector<128x32xf32>
    %get3A_4 = arith.constant 0 : index
    %get3A_5 = arith.constant 0 : index
    %get3A_6 = vector.load %arg6[%get3A_4, %get3A_5] : memref<128x128xf32, #tpu.memory_space<vmem>>, vector<128x32xf32>
    %get3A_7 = arith.constant 0 : index
    %get3A_8 = arith.constant 0 : index
    %get3A_9 = vector.load %arg7[%get3A_7, %get3A_8] : memref<128x1xf32, #tpu.memory_space<vmem>>, vector<128x1xf32>
    %concatenate3A = tpu.concatenate %get3A_3, %get3A_6, %get3A_9 in 1 : vector<128x32xf32>, vector<128x32xf32>, vector<128x1xf32> -> vector<128x65xf32>
    %get3A_10 = arith.constant 0 : index
    %get3A_11 = arith.constant 0 : index
    %get3A_12 = vector.load %arg9[%get3A_10, %get3A_11] : memref<65x32xf32, #tpu.memory_space<vmem>>, vector<65x32xf32>
    %dot_general3A = arith.constant dense<0.000000e+00> : vector<128x32xf32>
    %dot_general3A_13 = tpu.matmul %concatenate3A, %get3A_12, %dot_general3A {dimension_numbers = #tpu.dot_dimension_numbers<[1], [0], [0], [1], [0, 0, 1, 1], [], []>, transpose_lhs_hint = false} : vector<128x65xf32>, vector<65x32xf32>, vector<128x32xf32> -> vector<128x32xf32>
    %get3A_14 = arith.constant 0 : index
    %get3A_15 = arith.constant 0 : index
    %get3A_16 = vector.load %arg10[%get3A_14, %get3A_15] : memref<1x32xf32, #tpu.memory_space<vmem>>, vector<1x32xf32>
    %add3A = vector.broadcast %get3A_16 : vector<1x32xf32> to vector<128x32xf32>
    %add3A_17 = arith.addf %dot_general3A_13, %add3A : vector<128x32xf32>
    %neg3A = arith.constant 0.000000e+00 : f32
    %neg3A_18 = vector.broadcast %neg3A : f32 to vector<128x32xf32>
    %neg3A_19 = arith.subf %neg3A_18, %add3A_17 : vector<128x32xf32>
    %exp3A = math.exp %neg3A_19 : vector<128x32xf32>
    %add3A_20 = arith.constant 1.000000e+00 : f32
    %add3A_21 = vector.broadcast %add3A_20 : f32 to vector<128x32xf32>
    %add3A_22 = arith.addf %add3A_21, %exp3A : vector<128x32xf32>
    %div3A = arith.constant 1.000000e+00 : f32
    %div3A_23 = vector.broadcast %div3A : f32 to vector<128x32xf32>
    %div3A_24 = arith.divf %div3A_23, %add3A_22 : vector<128x32xf32>
    %get3A_25 = arith.constant 0 : index
    %get3A_26 = arith.constant 0 : index
    %get3A_27 = vector.load %arg11[%get3A_25, %get3A_26] : memref<32x16xf32, #tpu.memory_space<vmem>>, vector<32x16xf32>
    %dot_general3A_28 = arith.constant dense<0.000000e+00> : vector<128x16xf32>
    %dot_general3A_29 = tpu.matmul %div3A_24, %get3A_27, %dot_general3A_28 {dimension_numbers = #tpu.dot_dimension_numbers<[1], [0], [0], [1], [0, 0, 1, 1], [], []>, transpose_lhs_hint = false} : vector<128x32xf32>, vector<32x16xf32>, vector<128x16xf32> -> vector<128x16xf32>
    %get3A_30 = arith.constant 0 : index
    %get3A_31 = arith.constant 0 : index
    %get3A_32 = vector.load %arg12[%get3A_30, %get3A_31] : memref<1x16xf32, #tpu.memory_space<vmem>>, vector<1x16xf32>
    %add3A_33 = vector.broadcast %get3A_32 : vector<1x16xf32> to vector<128x16xf32>
    %add3A_34 = arith.addf %dot_general3A_29, %add3A_33 : vector<128x16xf32>
    %neg3A_35 = arith.constant 0.000000e+00 : f32
    %neg3A_36 = vector.broadcast %neg3A_35 : f32 to vector<128x16xf32>
    %neg3A_37 = arith.subf %neg3A_36, %add3A_34 : vector<128x16xf32>
    %exp3A_38 = math.exp %neg3A_37 : vector<128x16xf32>
    %add3A_39 = arith.constant 1.000000e+00 : f32
    %add3A_40 = vector.broadcast %add3A_39 : f32 to vector<128x16xf32>
    %add3A_41 = arith.addf %add3A_40, %exp3A_38 : vector<128x16xf32>
    %div3A_42 = arith.constant 1.000000e+00 : f32
    %div3A_43 = vector.broadcast %div3A_42 : f32 to vector<128x16xf32>
    %div3A_44 = arith.divf %div3A_43, %add3A_41 : vector<128x16xf32>
    %get3A_45 = arith.constant 0 : index
    %get3A_46 = arith.constant 0 : index
    %get3A_47 = vector.load %arg13[%get3A_45, %get3A_46] : memref<16x2048xf32, #tpu.memory_space<vmem>>, vector<16x2048xf32>
    %dot_general3A_48 = arith.constant dense<0.000000e+00> : vector<128x2048xf32>
    %dot_general3A_49 = tpu.matmul %div3A_44, %get3A_47, %dot_general3A_48 {dimension_numbers = #tpu.dot_dimension_numbers<[1], [0], [0], [1], [0, 0, 1, 1], [], []>, transpose_lhs_hint = false} : vector<128x16xf32>, vector<16x2048xf32>, vector<128x2048xf32> -> vector<128x2048xf32>
    %get3A_50 = arith.constant 0 : index
    %get3A_51 = arith.constant 0 : index
    %get3A_52 = vector.load %arg14[%get3A_50, %get3A_51] : memref<1x2048xf32, #tpu.memory_space<vmem>>, vector<1x2048xf32>
    %add3A_53 = vector.broadcast %get3A_52 : vector<1x2048xf32> to vector<128x2048xf32>
    %add3A_54 = arith.addf %dot_general3A_49, %add3A_53 : vector<128x2048xf32>
    %reshape3A = vector.shape_cast %add3A_54 : vector<128x2048xf32> to vector<128x64x32xf32>
    %get3A_55 = arith.constant 0 : index
    %get3A_56 = arith.constant 0 : index
    %get3A_57 = vector.load %arg3[%get3A_55, %get3A_56] : memref<128x1536xf32, #tpu.memory_space<vmem>>, vector<128x1536xf32>
    %reshape3A_58 = vector.shape_cast %get3A_57 : vector<128x1536xf32> to vector<128x48x32xf32>
    %get3A_59 = arith.constant 0 : index
    %get3A_60 = arith.constant 0 : index
    %get3A_61 = vector.load %arg4[%get3A_59, %get3A_60] : memref<128x1536xf32, #tpu.memory_space<vmem>>, vector<128x1536xf32>
    %reshape3A_62 = vector.shape_cast %get3A_61 : vector<128x1536xf32> to vector<128x48x32xf32>
    %slice3A = vector.extract_strided_slice %reshape3A {offsets = [0, 0, 0], sizes = [128, 32, 32], strides = [1, 1, 1]} : vector<128x64x32xf32> to vector<128x32x32xf32>
    %slice3A_63 = vector.extract_strided_slice %reshape3A {offsets = [0, 32, 0], sizes = [128, 32, 32], strides = [1, 1, 1]} : vector<128x64x32xf32> to vector<128x32x32xf32>
    %dot_general3A_64 = arith.constant dense<0.000000e+00> : vector<128x48x32xf32>
    %dot_general3A_65 = tpu.matmul %reshape3A_58, %slice3A, %dot_general3A_64 {dimension_numbers = #tpu.dot_dimension_numbers<[2], [1], [1], [2], [0, 0, 0, 1, 1, 2], [0], [0]>, transpose_lhs_hint = false} : vector<128x48x32xf32>, vector<128x32x32xf32>, vector<128x48x32xf32> -> vector<128x48x32xf32>
    %dot_general3A_66 = arith.constant dense<0.000000e+00> : vector<128x48x32xf32>
    %dot_general3A_67 = tpu.matmul %reshape3A_62, %slice3A_63, %dot_general3A_66 {dimension_numbers = #tpu.dot_dimension_numbers<[2], [1], [1], [2], [0, 0, 0, 1, 1, 2], [0], [0]>, transpose_lhs_hint = false} : vector<128x48x32xf32>, vector<128x32x32xf32>, vector<128x48x32xf32> -> vector<128x48x32xf32>
    %add3A_68 = arith.addf %dot_general3A_65, %dot_general3A_67 : vector<128x48x32xf32>
    %ge3A = arith.constant 0.000000e+00 : f32
    %ge3A_69 = vector.broadcast %ge3A : f32 to vector<128x48x32xf32>
    %ge3A_70 = arith.cmpf oge, %add3A_68, %ge3A_69 : vector<128x48x32xf32>
    %mul3A = arith.constant 0.00999999977 : f32
    %mul3A_71 = vector.broadcast %mul3A : f32 to vector<128x48x32xf32>
    %mul3A_72 = arith.mulf %mul3A_71, %add3A_68 : vector<128x48x32xf32>
    %select_n3A = arith.select %ge3A_70, %add3A_68, %mul3A_72 : vector<128x48x32xi1>, vector<128x48x32xf32>
    %min3A = arith.constant 8.000000e+01 : f32
    %min3A_73 = vector.broadcast %min3A : f32 to vector<128x48x32xf32>
    %min3A_74 = arith.minimumf %select_n3A, %min3A_73 : vector<128x48x32xf32>
    %exp3A_75 = math.exp %min3A_74 : vector<128x48x32xf32>
    %reshape3A_76 = vector.shape_cast %exp3A_75 : vector<128x48x32xf32> to vector<128x1536xf32>
    %mul3A_77 = arith.mulf %reshape3A_76, %get3A_57 : vector<128x1536xf32>
    %concatenate3A_78 = tpu.concatenate %mul3A_77, %reshape3A_76 in 1 : vector<128x1536xf32>, vector<128x1536xf32> -> vector<128x3072xf32>
    %get3A_79 = arith.constant 0 : index
    %get3A_80 = arith.constant 0 : index
    %get3A_81 = arith.constant 0 : index
    %get3A_82 = vector.load %arg8[%get3A_79, %get3A_80, %get3A_81] : memref<1x1x128xi32, #tpu.memory_space<vmem>>, vector<1x1x128xi32>
    %get3A_83 = vector.shape_cast %get3A_82 : vector<1x1x128xi32> to vector<1x128xi32>
    %broadcast_in_dim3A = vector.shape_cast %get3A_83 : vector<1x128xi32> to vector<1x128xi32>
    %broadcast_in_dim3A_84 = vector.broadcast %broadcast_in_dim3A : vector<1x128xi32> to vector<128x128xi32>
    %iota3A = tpu.iota {dimensions = array<i32: 0>} : vector<128x128xi32>
    %eq3A_85 = arith.cmpi eq, %iota3A, %broadcast_in_dim3A_84 : vector<128x128xi32>
    %convert_element_type3A_86 = arith.extui %eq3A_85 : vector<128x128xi1> to vector<128x128xi32>
    %convert_element_type3A_87 = arith.sitofp %convert_element_type3A_86 : vector<128x128xi32> to vector<128x128xf32>
    %dot_general3A_88 = arith.constant dense<0.000000e+00> : vector<128x3072xf32>
    %dot_general3A_89 = tpu.matmul %convert_element_type3A_87, %concatenate3A_78, %dot_general3A_88 {dimension_numbers = #tpu.dot_dimension_numbers<[1], [0], [0], [1], [0, 0, 1, 1], [], []>, transpose_lhs_hint = false} : vector<128x128xf32>, vector<128x3072xf32>, vector<128x3072xf32> -> vector<128x3072xf32>
    %swap3A = arith.constant 0 : index
    %swap3A_90 = arith.constant 0 : index
    %swap3A_91 = vector.load %arg19[%swap3A, %swap3A_90] : memref<128x3072xf32, #tpu.memory_space<vmem>>, vector<128x3072xf32>
    tpu.vector_store %arg19[%swap3A, %swap3A_90], %dot_general3A_89 {strides = array<i32>} : memref<128x3072xf32, #tpu.memory_space<vmem>>, vector<128x3072xf32>,
    %get3A_92 = arith.index_cast %arg0 : i32 to index
    %get3A_93 = memref.load %arg2[%get3A_92] : memref<64xi32, #tpu.memory_space<smem>>
    %while3A = arith.constant 0 : i32
    %while3A_94 = arith.constant 0 : i32
    %while3A_95 = arith.subi %get3A_93, %while3A_94 : i32
    %while3A_96 = arith.addi %while3A_94, %while3A_95 : i32
    %while3A_97 = arith.constant 1 : i32
    %while3A_98 = arith.divsi %while3A_95, %while3A_97 : i32
    %while3A_99 = arith.muli %while3A_98, %while3A_97 : i32
    %while3A_100 = arith.addi %while3A_94, %while3A_99 : i32
    %while3A_101 = arith.constant 1 : i32
    scf.for %while3A_108 = %while3A_94 to %while3A_100 step %while3A_101  : i32 {
      %mul3A_109 = arith.constant 128 : i32
      %mul3A_110 = arith.muli %arg0, %mul3A_109 : i32
      %add3A_111 = arith.addi %mul3A_110, %while3A_108 : i32
      %get3A_112 = arith.index_cast %add3A_111 : i32 to index
      %get3A_113 = memref.load %arg1[%get3A_112] : memref<8192xi32, #tpu.memory_space<smem>>
      %get3A_114 = arith.index_cast %get3A_113 : i32 to index
      %get3A_115 = arith.constant 0 : index
      %get3A_116 = vector.load %arg17[%get3A_114, %get3A_115] : memref<1024x1536xf32, #tpu.memory_space<vmem>>, vector<1x1536xf32>
      %get3A_117 = arith.index_cast %while3A_108 : i32 to index
      %get3A_118 = arith.constant 0 : index
      %get3A_119 = vector.load %arg19[%get3A_117, %get3A_118] : memref<128x3072xf32, #tpu.memory_space<vmem>>, vector<1x1536xf32>
      %add3A_120 = arith.addf %get3A_116, %get3A_119 : vector<1x1536xf32>
      %swap3A_121 = arith.index_cast %get3A_113 : i32 to index
      %swap3A_122 = arith.constant 0 : index
      %swap3A_123 = vector.load %arg17[%swap3A_121, %swap3A_122] : memref<1024x1536xf32, #tpu.memory_space<vmem>>, vector<1x1536xf32>
      tpu.vector_store %arg17[%swap3A_121, %swap3A_122], %add3A_120 {strides = array<i32>} : memref<1024x1536xf32, #tpu.memory_space<vmem>>, vector<1x1536xf32>,
      %get3A_124 = arith.index_cast %get3A_113 : i32 to index
      %get3A_125 = arith.constant 0 : index
      %get3A_126 = vector.load %arg18[%get3A_124, %get3A_125] : memref<1024x1536xf32, #tpu.memory_space<vmem>>, vector<1x1536xf32>
      %get3A_127 = arith.index_cast %while3A_108 : i32 to index
      %get3A_128 = arith.constant 1536 : index
      %get3A_129 = vector.load %arg19[%get3A_127, %get3A_128] : memref<128x3072xf32, #tpu.memory_space<vmem>>, vector<1x1536xf32>
      %add3A_130 = arith.addf %get3A_126, %get3A_129 : vector<1x1536xf32>
      %swap3A_131 = arith.index_cast %get3A_113 : i32 to index
      %swap3A_132 = arith.constant 0 : index
      %swap3A_133 = vector.load %arg18[%swap3A_131, %swap3A_132] : memref<1024x1536xf32, #tpu.memory_space<vmem>>, vector<1x1536xf32>
      tpu.vector_store %arg18[%swap3A_131, %swap3A_132], %add3A_130 {strides = array<i32>} : memref<1024x1536xf32, #tpu.memory_space<vmem>>, vector<1x1536xf32>,
    }
    %while3A_102 = arith.constant 1 : i32
    scf.for %while3A_108 = %while3A_100 to %while3A_96 step %while3A_102  : i32 {
      %mul3A_109 = arith.constant 128 : i32
      %mul3A_110 = arith.muli %arg0, %mul3A_109 : i32
      %add3A_111 = arith.addi %mul3A_110, %while3A_108 : i32
      %get3A_112 = arith.index_cast %add3A_111 : i32 to index
      %get3A_113 = memref.load %arg1[%get3A_112] : memref<8192xi32, #tpu.memory_space<smem>>
      %get3A_114 = arith.index_cast %get3A_113 : i32 to index
      %get3A_115 = arith.constant 0 : index
      %get3A_116 = vector.load %arg17[%get3A_114, %get3A_115] : memref<1024x1536xf32, #tpu.memory_space<vmem>>, vector<1x1536xf32>
      %get3A_117 = arith.index_cast %while3A_108 : i32 to index
      %get3A_118 = arith.constant 0 : index
      %get3A_119 = vector.load %arg19[%get3A_117, %get3A_118] : memref<128x3072xf32, #tpu.memory_space<vmem>>, vector<1x1536xf32>
      %add3A_120 = arith.addf %get3A_116, %get3A_119 : vector<1x1536xf32>
      %swap3A_121 = arith.index_cast %get3A_113 : i32 to index
      %swap3A_122 = arith.constant 0 : index
      %swap3A_123 = vector.load %arg17[%swap3A_121, %swap3A_122] : memref<1024x1536xf32, #tpu.memory_space<vmem>>, vector<1x1536xf32>
      tpu.vector_store %arg17[%swap3A_121, %swap3A_122], %add3A_120 {strides = array<i32>} : memref<1024x1536xf32, #tpu.memory_space<vmem>>, vector<1x1536xf32>,
      %get3A_124 = arith.index_cast %get3A_113 : i32 to index
      %get3A_125 = arith.constant 0 : index
      %get3A_126 = vector.load %arg18[%get3A_124, %get3A_125] : memref<1024x1536xf32, #tpu.memory_space<vmem>>, vector<1x1536xf32>
      %get3A_127 = arith.index_cast %while3A_108 : i32 to index
      %get3A_128 = arith.constant 1536 : index
      %get3A_129 = vector.load %arg19[%get3A_127, %get3A_128] : memref<128x3072xf32, #tpu.memory_space<vmem>>, vector<1x1536xf32>
      %add3A_130 = arith.addf %get3A_126, %get3A_129 : vector<1x1536xf32>
      %swap3A_131 = arith.index_cast %get3A_113 : i32 to index
      %swap3A_132 = arith.constant 0 : index
      %swap3A_133 = vector.load %arg18[%swap3A_131, %swap3A_132] : memref<1024x1536xf32, #tpu.memory_space<vmem>>, vector<1x1536xf32>
      tpu.vector_store %arg18[%swap3A_131, %swap3A_132], %add3A_130 {strides = array<i32>} : memref<1024x1536xf32, #tpu.memory_space<vmem>>, vector<1x1536xf32>,
    }
    %eq3A_103 = arith.constant 63 : i32
    %eq3A_104 = arith.cmpi eq, %arg0, %eq3A_103 : i32
    %convert_element_type3A_105 = arith.extui %eq3A_104 : i1 to i32
    %cond3A_106 = arith.constant 0 : i32
    %cond3A_107 = arith.cmpi ne, %convert_element_type3A_105, %cond3A_106 : i32
    scf.if %cond3A_107 {
      %get3A_108 = arith.constant 0 : index
      %get3A_109 = arith.constant 0 : index
      %get3A_110 = vector.load %arg18[%get3A_108, %get3A_109] : memref<1024x1536xf32, #tpu.memory_space<vmem>>, vector<1024x1536xf32>
      %gt3A = arith.constant 0.000000e+00 : f32
      %gt3A_111 = vector.broadcast %gt3A : f32 to vector<1024x1536xf32>
      %gt3A_112 = arith.cmpf ogt, %get3A_110, %gt3A_111 : vector<1024x1536xf32>
      %jit3A = arith.constant 1.000000e+00 : f32
      %broadcast_in_dim3A_113 = vector.broadcast %jit3A : f32 to vector<1024x1536xf32>
      %select_n3A_114 = arith.select %gt3A_112, %get3A_110, %broadcast_in_dim3A_113 : vector<1024x1536xi1>, vector<1024x1536xf32>
      %get3A_115 = arith.constant 0 : index
      %get3A_116 = arith.constant 0 : index
      %get3A_117 = vector.load %arg17[%get3A_115, %get3A_116] : memref<1024x1536xf32, #tpu.memory_space<vmem>>, vector<1024x1536xf32>
      %div3A_118 = arith.divf %get3A_117, %select_n3A_114 : vector<1024x1536xf32>
      %max3A = arith.constant 0.000000e+00 : f32
      %max3A_119 = vector.broadcast %max3A : f32 to vector<1024x1536xf32>
      %max3A_120 = arith.maximumf %div3A_118, %max3A_119 : vector<1024x1536xf32>
      %get3A_121 = arith.constant 0 : index
      %get3A_122 = arith.constant 0 : index
      %get3A_123 = memref.load %arg15[%get3A_121, %get3A_122] : memref<1x1xf32, #tpu.memory_space<smem>>
      %mul3A_124 = vector.broadcast %get3A_123 : f32 to vector<1024x1536xf32>
      %mul3A_125 = arith.mulf %max3A_120, %mul3A_124 : vector<1024x1536xf32>
      %swap3A_126 = arith.constant 0 : index
      %swap3A_127 = arith.constant 0 : index
      %swap3A_128 = vector.load %arg16[%swap3A_126, %swap3A_127] : memref<1024x1536xf32, #tpu.memory_space<vmem>>, vector<1024x1536xf32>
      tpu.vector_store %arg16[%swap3A_126, %swap3A_127], %mul3A_125 {strides = array<i32>} : memref<1024x1536xf32, #tpu.memory_space<vmem>>, vector<1024x1536xf32>,
    } else {
    }
    return
  }
  func.func @transform_0(%arg0: i32, %arg1: memref<8192xi32, #tpu.memory_space<smem>>, %arg2: memref<64xi32, #tpu.memory_space<smem>>) -> (i32, i32) {
    %c0_i32 = arith.constant 0 : i32
    %c0_i32_0 = arith.constant 0 : i32
    return %arg0, %c0_i32 : i32, i32
  }
  func.func @transform_1(%arg0: i32, %arg1: memref<8192xi32, #tpu.memory_space<smem>>, %arg2: memref<64xi32, #tpu.memory_space<smem>>) -> (i32, i32) {
    %c0_i32 = arith.constant 0 : i32
    %c0_i32_0 = arith.constant 0 : i32
    return %arg0, %c0_i32 : i32, i32
  }
  func.func @transform_2(%arg0: i32, %arg1: memref<8192xi32, #tpu.memory_space<smem>>, %arg2: memref<64xi32, #tpu.memory_space<smem>>) -> (i32, i32) {
    %c0_i32 = arith.constant 0 : i32
    %c0_i32_0 = arith.constant 0 : i32
    return %arg0, %c0_i32 : i32, i32
  }
  func.func @transform_3(%arg0: i32, %arg1: memref<8192xi32, #tpu.memory_space<smem>>, %arg2: memref<64xi32, #tpu.memory_space<smem>>) -> (i32, i32) {
    %c0_i32 = arith.constant 0 : i32
    %c0_i32_0 = arith.constant 0 : i32
    return %arg0, %c0_i32 : i32, i32
  }
  func.func @transform_4(%arg0: i32, %arg1: memref<8192xi32, #tpu.memory_space<smem>>, %arg2: memref<64xi32, #tpu.memory_space<smem>>) -> (i32, i32) {
    %c0_i32 = arith.constant 0 : i32
    %c0_i32_0 = arith.constant 0 : i32
    return %arg0, %c0_i32 : i32, i32
  }
  func.func @transform_5(%arg0: i32, %arg1: memref<8192xi32, #tpu.memory_space<smem>>, %arg2: memref<64xi32, #tpu.memory_space<smem>>) -> (i32, i32, i32) {
    %c0_i32 = arith.constant 0 : i32
    %c0_i32_0 = arith.constant 0 : i32
    %c0_i32_1 = arith.constant 0 : i32
    return %arg0, %c0_i32, %c0_i32_0 : i32, i32, i32
  }
  func.func @transform_6(%arg0: i32, %arg1: memref<8192xi32, #tpu.memory_space<smem>>, %arg2: memref<64xi32, #tpu.memory_space<smem>>) -> (i32, i32) {
    %c0_i32 = arith.constant 0 : i32
    %c0_i32_0 = arith.constant 0 : i32
    %c0_i32_1 = arith.constant 0 : i32
    return %c0_i32, %c0_i32_0 : i32, i32
  }
  func.func @transform_7(%arg0: i32, %arg1: memref<8192xi32, #tpu.memory_space<smem>>, %arg2: memref<64xi32, #tpu.memory_space<smem>>) -> (i32, i32) {
    %c0_i32 = arith.constant 0 : i32
    %c0_i32_0 = arith.constant 0 : i32
    %c0_i32_1 = arith.constant 0 : i32
    return %c0_i32, %c0_i32_0 : i32, i32
  }
  func.func @transform_8(%arg0: i32, %arg1: memref<8192xi32, #tpu.memory_space<smem>>, %arg2: memref<64xi32, #tpu.memory_space<smem>>) -> (i32, i32) {
    %c0_i32 = arith.constant 0 : i32
    %c0_i32_0 = arith.constant 0 : i32
    %c0_i32_1 = arith.constant 0 : i32
    return %c0_i32, %c0_i32_0 : i32, i32
  }
  func.func @transform_9(%arg0: i32, %arg1: memref<8192xi32, #tpu.memory_space<smem>>, %arg2: memref<64xi32, #tpu.memory_space<smem>>) -> (i32, i32) {
    %c0_i32 = arith.constant 0 : i32
    %c0_i32_0 = arith.constant 0 : i32
    %c0_i32_1 = arith.constant 0 : i32
    return %c0_i32, %c0_i32_0 : i32, i32
  }
  func.func @transform_10(%arg0: i32, %arg1: memref<8192xi32, #tpu.memory_space<smem>>, %arg2: memref<64xi32, #tpu.memory_space<smem>>) -> (i32, i32) {
    %c0_i32 = arith.constant 0 : i32
    %c0_i32_0 = arith.constant 0 : i32
    %c0_i32_1 = arith.constant 0 : i32
    return %c0_i32, %c0_i32_0 : i32, i32
  }
  func.func @transform_11(%arg0: i32, %arg1: memref<8192xi32, #tpu.memory_space<smem>>, %arg2: memref<64xi32, #tpu.memory_space<smem>>) -> (i32, i32) {
    %c0_i32 = arith.constant 0 : i32
    %c0_i32_0 = arith.constant 0 : i32
    %c0_i32_1 = arith.constant 0 : i32
    return %c0_i32, %c0_i32_0 : i32, i32
  }
  func.func @transform_12(%arg0: i32, %arg1: memref<8192xi32, #tpu.memory_space<smem>>, %arg2: memref<64xi32, #tpu.memory_space<smem>>) -> (i32, i32) {
    %c0_i32 = arith.constant 0 : i32
    %c0_i32_0 = arith.constant 0 : i32
    %c0_i32_1 = arith.constant 0 : i32
    return %c0_i32, %c0_i32_0 : i32, i32
  }
  func.func @transform_13(%arg0: i32, %arg1: memref<8192xi32, #tpu.memory_space<smem>>, %arg2: memref<64xi32, #tpu.memory_space<smem>>) -> (i32, i32) {
    %c0_i32 = arith.constant 0 : i32
    %c0_i32_0 = arith.constant 0 : i32
    %c0_i32_1 = arith.constant 0 : i32
    return %c0_i32, %c0_i32_0 : i32, i32
  }
}

</mosaic_0001>

<sc_bundles>
// kernel: kernel.4.cloned.1.call-start
scs
__scs_entry_jumppad:
0x0: {  	(pc) =	sbr.rel $0x88, $3  }
0x1: {  	(tag) =	ssettag $0x0;
	lr =	simm.s32 $0x1  }
0x2: {  	[smem:$0x3F95] =	sst lr;
	_ =	strace $0xD0000000  }
0x3: {  	_ = 	snop  }
0x4: {  	_ = 	snop  }
0x5: {  	_ = 	snop  }
0x6: {  	_ = 	snop  }
0x7: {  	_ = 	snop  }
__scs_overlays_trampoline_lowered:
0x8: {  	[smem:$0x3FA4] =	sst s0  }
0x9: {  	[smem:$0x3FA5] =	sst s1  }
0xa: {  	[smem:$0x3FA6] =	sst s2  }
0xb: {  	[smem:$0x3FA7] =	sst s3  }
0xc: {  	[smem:$0x3FA8] =	sst s4  }
0xd: {  	[smem:$0x3FA9] =	sst s5  }
0xe: {  	[smem:$0x3FAA] =	sst s6  }
0xf: {  	[smem:$0x3FAB] =	sst s7  }
0x10: {  	[smem:$0x3FAC] =	sst s8  }
0x11: {  	[smem:$0x3FAD] =	sst s9;
	s0 =	simm.s32 @!p0 $0x0  }
0x12: {  	s1 =	sld [smem:$0x3F93];
	s0 =	simm.s32 @p0 $0x1  }
0x13: {  	[smem:$0x3FAE] =	sst s0;
	s0 =	simm.s32 @!p1 $0x0  }
0x14: {  	s2 =	sld [smem:$0x3F92];
	s0 =	simm.s32 @p1 $0x1  }
0x15: {  	[smem:$0x3FAF] =	sst s0;
	s0 =	simm.s32 @!p2 $0x0  }
0x16: {  	s3 =	sld [smem:$0x3FDB];
	s0 =	simm.s32 @p2 $0x1  }
0x17: {  	s4 =	simm.s32 $0x1BF5;
	[smem:$0x3FB1] =	sst s0  }
0x18: {  	s0 =	sld [smem:$0x3F94];
	_ =	swait.ge [sflag:s4], $0x0  }
0x19: {  	s7 =	sld [smem:$0x3F95]  }
0x1a: {  	s8 =	sadd.s32 $0xFFFFE003, lr  }
0x1b: {  	s9 =	sadd.s32 $0xFFFFFEF7, lr;
	s5 =	simm.s32 $0xFFFFFFFF;
	p2 =	slt.u32 s8, $0xFFFFF086  }
0x1c: {  	p1 =	slt.u32 s9, $0xF7A;
	s5 =	simm.s32 @!p2 $0x0  }
0x1d: {  	s5 =	simm.s32 @p1 $0x1;
	p0 =	seq.s32 s7, s2  }
0x1e: {  	s7 =	smul.u32 @!p0 $0xF7A, s2;
	p2 =	seq.s32 @!p0 s5, $0x0  }
0x1f: {  	s9 =	smul.u32 $0xF7A, s1;
	s8 =	simm.s32 @!p0 $0x1BF5;
	p2 =	por !p2, p0  }
0x20: {  	[sflag:s8] =	ssyncset.s32 @!p0 $0xFFFFF086;
	s6 =	sadd.s32 @!p0 s3, s7;
	s7 =	simm.s32 @!p0 $0x108  }
0x21: {  	s3 =	sadd.s32 s3, s9;
	s6 =	sadd.s32 @!p0 $0x88, s6;
	s7 =	simm.s32 @p2 $0x1082  }
0x22: {  	[simem:s7], [sflag:s8] =	dma.local @!p0 [hbm:s6], $0xF7A  }
0x23: {  	s9 =	sor.u32 $0xD0000000, s2;
	s6 =	simm.s32 $0x108;
	_ =	swait.ge @!p0 [sflag:s8], $0x0  }
0x24: {  	s3 =	sadd.s32 $0x88, s3;
	s6 =	simm.s32 @!p1 $0x1082;
	[sflag:s4] =	ssyncset.s32 $0xFFFFF086  }
0x25: {  	[simem:s6], [sflag:s4] =	dma.local [hbm:s3], $0xF7A  }
0x26: {  	[smem:$0x3F95] =	sst s1;
	(tag) =	ssettag s2;
	_ =	strace s9  }
0x27: {  	s1 =	sld [smem:$0x3FA5]  }
0x28: {  	s2 =	sld [smem:$0x3FA6]  }
0x29: {  	s4 =	sld [smem:$0x3FA8]  }
0x2a: {  	p0 =	seq.s32 s5, $0x0;
	s5 =	sld [smem:$0x3FA9]  }
0x2b: {  	s6 =	sld [smem:$0x3FAA]  }
0x2c: {  	s7 =	sld [smem:$0x3FAB]  }
0x2d: {  	s3 =	simm.s32 $0x108;
	s8 =	sld [smem:$0x3FAC]  }
0x2e: {  	s3 =	simm.s32 @!p0 $0x1082;
	s9 =	sld [smem:$0x3FAD]  }
0x2f: {  	lr =	sadd.s32 s0, s3;
	s0 =	sld [smem:$0x3FA4]  }
0x30: {  	s3 =	sld [smem:$0x3FA7]  }
0x31: {  	[smem:$0x3FB0] =	sst s10  }
0x32: {  	s10 =	sld [smem:$0x3FAE];
	_ =	sdelay $0x3  }
0x33: {  	p0 =	seq.s32 s10, $0x1;
	s10 =	sld [smem:$0x3FB0];
	_ =	sdelay $0x3  }
0x34: {  	[smem:$0x3FB0] =	sst s10  }
0x35: {  	s10 =	sld [smem:$0x3FAF];
	_ =	sdelay $0x3  }
0x36: {  	p1 =	seq.s32 s10, $0x1;
	s10 =	sld [smem:$0x3FB0];
	_ =	sdelay $0x3  }
0x37: {  	[smem:$0x3FB0] =	sst s10  }
0x38: {  	s10 =	sld [smem:$0x3FB1]  }
0x39: {  	_ = 	snop;
	(pc) =	sbr.ind lr, $3  }
0x3a: {  	_ = 	snop  }
0x3b: {  	_ = 	snop  }
0x3c: {  	p2 =	seq.s32 s10, $0x1;
	s10 =	sld [smem:$0x3FB0]  }
0x3d: {  	_ =	shalt  }
0x3e: {  	_ =	shalt  }
0x3f: {  	_ =	shalt  }
0x40: {  	_ =	shalt  }
0x41: {  	_ =	shalt  }
0x42: {  	_ =	shalt  }
0x43: {  	_ =	shalt  }
0x44: {  	_ =	shalt  }
0x45: {  	_ =	shalt  }
0x46: {  	_ =	shalt  }
0x47: {  	_ =	shalt  }
0x48: {  	_ =	shalt  }
0x49: {  	_ =	shalt  }
0x4a: {  	_ =	shalt  }
0x4b: {  	_ =	shalt  }
0x4c: {  	_ =	shalt  }
0x4d: {  	_ =	shalt  }
0x4e: {  	_ =	shalt  }
0x4f: {  	_ =	shalt  }
0x50: {  	_ =	shalt  }
0x51: {  	_ =	shalt  }
0x52: {  	_ =	shalt  }
0x53: {  	_ =	shalt  }
0x54: {  	_ =	shalt  }
0x55: {  	_ =	shalt  }
0x56: {  	_ =	shalt  }
0x57: {  	_ =	shalt  }
0x58: {  	_ =	shalt  }
0x59: {  	_ =	shalt  }
0x5a: {  	_ =	shalt  }
0x5b: {  	_ =	shalt  }
0x5c: {  	_ =	shalt  }
0x5d: {  	_ =	shalt  }
0x5e: {  	_ =	shalt  }
0x5f: {  	_ =	shalt  }
0x60: {  	_ =	shalt  }
0x61: {  	_ =	shalt  }
0x62: {  	_ =	shalt  }
0x63: {  	_ =	shalt  }
0x64: {  	_ =	shalt  }
0x65: {  	_ =	shalt  }
0x66: {  	_ =	shalt  }
0x67: {  	_ =	shalt  }
0x68: {  	_ =	shalt  }
0x69: {  	_ =	shalt  }
0x6a: {  	_ =	shalt  }
0x6b: {  	_ =	shalt  }
0x6c: {  	_ =	shalt  }
0x6d: {  	_ =	shalt  }
0x6e: {  	_ =	shalt  }
0x6f: {  	_ =	shalt  }
0x70: {  	_ =	shalt  }
0x71: {  	_ =	shalt  }
0x72: {  	_ =	shalt  }
0x73: {  	_ =	shalt  }
0x74: {  	_ =	shalt  }
0x75: {  	_ =	shalt  }
0x76: {  	_ =	shalt  }
0x77: {  	_ =	shalt  }
0x78: {  	_ =	shalt  }
0x79: {  	_ =	shalt  }
0x7a: {  	_ =	shalt  }
0x7b: {  	_ =	shalt  }
0x7c: {  	_ =	shalt  }
0x7d: {  	_ =	shalt  }
0x7e: {  	_ =	shalt  }
0x7f: {  	_ =	shalt  }
0x80: {  	_ =	shalt  }
0x81: {  	_ =	shalt  }
0x82: {  	_ =	shalt  }
0x83: {  	_ =	shalt  }
0x84: {  	_ =	shalt  }
0x85: {  	_ =	shalt  }
0x86: {  	_ =	shalt  }
0x87: {  	_ =	shalt  }
.Lfunc_end0:
.L_simem_size_0:
called_computation_lowered:
.L_overlay_start_0:
0x88: {  	s2 =	sld [smem:$0x3FD9]  }
0x89: {  	s3 =	sld [smem:$0x3FFE];
	_ =	sdelay $0x1  }
0x8a: {  	s1 =	srdreg.scid  }
0x8b: {  	s0 =	sand.u32 $0x1, s1  }
0x8c: {  	s17 =	sshll.u32 s0, $0xA;
	s2 =	sadd.s32 s3, s2  }
0x8d: {  	s2 =	sadd.s32 s2, s17  }
0x8e: {  	[smem:$0x3FBC] =	sst s2  }
0x8f: {  	_ = 	snop  }
0x90: {  	s2 =	sld [smem:$0x3FBF]  }
0x91: {  	s18 =	sld [smem:$0x3FBE]  }
0x92: {  	s4 =	sld [smem:$0x3FD0];
	(tm) =	ssettm $0x1  }
0x93: {  	s5 =	sld [smem:$0x3FFB];
	_ =	sdelay $0x3  }
0x94: {  	_ =	strace s5  }
0x95: {  	s5 =	sld [smem:$0x3FFC];
	_ =	sdelay $0x3  }
0x96: {  	_ =	strace s5  }
0x97: {  	s5 =	sld [smem:$0x3FFD];
	_ =	sdelay $0x3  }
0x98: {  	_ =	strace s5  }
0x99: {  	_ =	strace $0x8FFFFFFF  }
0x9a: {  	s19 =	sld [smem:$0x3FDB];
	_ =	sdelay $0x1  }
0x9b: {  	s6 =	simm.s32 $_scs_section_size  }
0x9c: {  	s7 =	simm.s32 $_size__tile_overlayer_lowered;
	s8 =	simm.s32 $_tile_overlayer_lowered  }
0x9d: {  	s22 =	simm.s32 $0x1BFF;
	s21 =	sshll.u32 s8, $0x1;
	s5 =	sadd.s32 s6, s19  }
0x9e: {  	s9 =	simm.s32 $0x0;
	s20 =	sshll.u32 s7, $0x1;
	s7 =	sadd.s32 s21, s5  }
0x9f: {  	[timem:s9], [sflag:s22] =	dma.local [hbm:s7], s20  }
0xa0: {  	_ =	swait.ge [sflag:s22], s20  }
0xa1: {  	s6 =	ssub.s32 $0x0, s20;
	[sflag:s22] =	ssyncset.done $0x0  }
0xa2: {  	[sflag:s22] =	ssyncadd.s32 s6;
	_ =	sdelay $0x1  }
0xa3: {  	s23 =	simm.s32 $0x1B8B  }
0xa4: {  	_ =	swait.ge [sflag:s23], $0x1  }
0xa5: {  	[sflag:s23] =	ssyncset.done $0x0  }
0xa6: {  	s25 =	simm.s32 $0x1B8E;
	s24 =	sld [smem:$0x3FFE];
	[sflag:s23] =	ssyncadd.s32 $0xFFFFFFFF  }
0xa7: {  	s26 =	simm.s32 $execute0_lowered;
	[smem:$0x3FD2] =	sst s25  }
0xa8: {  	s7 =	sshll.u32 s26, $0x1;
	_ =	strace $0x80000046;
	[dreg:$0x1] =	wrdreg $0xFFFFFFFF  }
0xa9: {  	s28 =	simm.s32 $_size_execute0_lowered;
	s5 =	sadd.s32 s5, s7;
	[dreg:$0x0] =	wrdreg $0x0  }
0xaa: {  	s7 =	sshll.u32 s28, $0x1;
	[dreg:$0x2] =	wrdreg s5  }
0xab: {  	[dreg:$0x3] =	wrdreg s7  }
0xac: {  	[dreg:$0x4] =	wrdreg $0xC0  }
0xad: {  	_ =	task [dreg:s9], $0x5FFFF  }
0xae: {  	[dreg:$0x1] =	wrdreg $0xFFFFFFFF  }
0xaf: {  	[dreg:$0x0] =	wrdreg $0x60  }
0xb0: {  	[dreg:$0x2] =	wrdreg s4  }
0xb1: {  	[dreg:$0x3] =	wrdreg s24  }
0xb2: {  	[dreg:$0x4] =	wrdreg s2  }
0xb3: {  	[dreg:$0x5] =	wrdreg s18  }
0xb4: {  	[dreg:$0x6] =	wrdreg $0x9  }
0xb5: {  	_ =	task.clear_ibuf [dreg:s9], $0x7FFFF;
	_ =	strace $0x90000046  }
0xb6: {  	s29 =	simm.s32 $0x9;
	_ =	strace $0x80000048  }
0xb7: {  	_ =	swait.ge [sflag:s29], $0x1  }
0xb8: {  	[sflag:s29] =	ssyncadd.s32 $0xFFFFFFFF  }
0xb9: {  	_ =	strace $0x90000048  }
0xba: {  	_ =	sfence  }
0xbb: {  	s30 =	sld [smem:$0x0];
	_ =	sdelay $0x2  }
0xbc: {  	s31 =	sshll.u32 s1, $0xD;
	s1 =	sshrl.u32 s1, $0x2  }
0xbd: {  	s3 =	sand.u32 $0x4000, s31;
	s1 =	sadd.s32 s1, s30  }
0xbe: {  	s0 =	sor.u32 s3, s0;
	s1 =	sshll.u32 s1, $0x11  }
0xbf: {  	s0 =	sor.u32 s1, s0  }
0xc0: {  	s0 =	sadd.s32 $0x8F2B, s0  }
0xc1: {  	[sflag:s0] =	ssyncadd.remote.s32 $0x1  }
0xc2: {  	_ =	sfence.sel $0xFFFF  }
0xc3: {  	[dreg:$0x0] =	wrdreg $0xFFFFFFFF;
	(pc) =	sbr.abs _section_cstart, $3  }
0xc4: {  	[dreg:$0x1] =	wrdreg $0xFFFFFFFF  }
0xc5: {  	_ =	task.clear_ibuf [dreg:s9], $0x2FFFF;
	_ =	strace $0x9FFFFFFF  }
0xc6: {  	(tm) =	ssettm $0x7FFFFFFF  }
0xc7: {  	_ =	shalt  }
tec
execute0_lowered:
.L_overlay_start_1:
0x0: {  	(tag) =	ssettag $0x1  }
0x1: {  	s1 =	rddreg [dreg:$0x0]  }
0x2: {  	s0 =	rddreg [dreg:$0x1]  }
0x3: {  	s2 =	rddreg [dreg:$0x2];
	s3 =	srdreg.scid  }
0x4: {  	s11 =	rddreg [dreg:$0x3];
	s5 =	sand.u32 $0x1, s3;
	s3 =	simm.s32 $0x0  }
0x5: {  	s25 =	simm.s32 $0x900;
	[smem:$0x7FF] =	sst s3  }
0x6: {  	s26 =	simm.s32 $0x1100;
	_ =	strace $0x80000047;
	[dreg:$0x7] =	wrdreg s25  }
0x7: {  	s29 =	simm.s32 $0x1900;
	[dreg:$0x8] =	wrdreg s26  }
0x8: {  	s30 =	simm.s32 $0x2100;
	[dreg:$0x9] =	wrdreg s29  }
0x9: {  	s31 =	simm.s32 $0x2900;
	[dreg:$0xa] =	wrdreg s30  }
0xa: {  	s8 =	simm.s32 $0x3900;
	[dreg:$0xb] =	wrdreg s31  }
0xb: {  	s9 =	simm.s32 $0x4100;
	[dreg:$0xd] =	wrdreg s8  }
0xc: {  	s10 =	simm.s32 $0x4900;
	[dreg:$0xe] =	wrdreg s9  }
0xd: {  	s12 =	simm.s32 $0x5100;
	[dreg:$0xf] =	wrdreg s10  }
0xe: {  	s13 =	simm.s32 $0x5900;
	[dreg:$0x10] =	wrdreg s12  }
0xf: {  	s14 =	simm.s32 $0x6100;
	[dreg:$0x11] =	wrdreg s13  }
0x10: {  	s15 =	simm.s32 $0x6900;
	[dreg:$0x12] =	wrdreg s14  }
0x11: {  	s16 =	simm.s32 $0x7100;
	[dreg:$0x13] =	wrdreg s15  }
0x12: {  	s17 =	simm.s32 $0x7900;
	[dreg:$0x14] =	wrdreg s16  }
0x13: {  	s18 =	simm.s32 $0x8100;
	[dreg:$0x15] =	wrdreg s17  }
0x14: {  	s19 =	simm.s32 $0x8900;
	[dreg:$0x16] =	wrdreg s18  }
0x15: {  	s20 =	simm.s32 $0x9100;
	[dreg:$0x17] =	wrdreg s19  }
0x16: {  	s21 =	simm.s32 $0x9900;
	[dreg:$0x18] =	wrdreg s20  }
0x17: {  	s22 =	simm.s32 $0xA100;
	[dreg:$0x19] =	wrdreg s21  }
0x18: {  	s23 =	simm.s32 $0xA900;
	[dreg:$0x1a] =	wrdreg s22  }
0x19: {  	s24 =	simm.s32 $0xB100;
	[dreg:$0x1b] =	wrdreg s23  }
0x1a: {  	[dreg:$0x1c] =	wrdreg s24;
	s25 =	simm.s32 $0xB900  }
0x1b: {  	s7 =	stileid.u32;
	s29 =	simm.s32 $0xC900;
	[dreg:$0x1d] =	wrdreg s25  }
0x1c: {  	s4 =	sshll.u32 s7, $0xD;
	s31 =	simm.s32 $0xD100;
	[dreg:$0x1e] =	wrdreg s29  }
0x1d: {  	s26 =	sshll.u32 s7, $0x9;
	s7 =	simm.s32 $0xD900;
	[dreg:$0x1f] =	wrdreg s31  }
0x1e: {  	s8 =	simm.s32 $0xE100;
	[smem:$0x7E8] =	sst s7  }
0x1f: {  	s9 =	simm.s32 $0xE900;
	[smem:$0x7E9] =	sst s8  }
0x20: {  	s28 =	simm.s32 $0x0;
	s10 =	simm.s32 $0xF100;
	[smem:$0x7EA] =	sst s9  }
0x21: {  	s4 =	sadd.s32 s4, s0;
	s13 =	simm.s32 $0xF900;
	[smem:$0x7EB] =	sst s10  }
0x22: {  	s6 =	sshll.u32 s5, $0xC;
	s15 =	simm.s32 $0x10100;
	[smem:$0x7EC] =	sst s13  }
0x23: {  	s4 =	sadd.s32 s6, s4;
	s17 =	simm.s32 $0x10900;
	[smem:$0x7ED] =	sst s15  }
0x24: {  	s30 =	sshll.u32 s5, $0x8;
	s18 =	simm.s32 $0x11100;
	[smem:$0x7EE] =	sst s17  }
0x25: {  	s5 =	ssub.s32 $0x2, s5;
	s19 =	simm.s32 $0x11900;
	[smem:$0x7EF] =	sst s18  }
0x26: {  	s20 =	simm.s32 $0x12100;
	s21 =	simm.s32 $0x12900;
	[smem:$0x7F0] =	sst s19  }
0x27: {  	s22 =	simm.s32 $0x13100;
	s23 =	simm.s32 $0x13900;
	[smem:$0x7F1] =	sst s20  }
0x28: {  	s6 =	sadd.s32 $0x4C00, s4;
	s4 =	sadd.s32 $0x24C00, s4;
	[smem:$0x7F2] =	sst s21  }
0x29: {  	s16 =	sshrl.u32 s5, $0x1;
	s7 =	sadd.s32 $0x300, s1;
	[smem:$0x7F3] =	sst s22  }
0x2a: {  	s8 =	sadd.s32 $0x400, s1;
	s9 =	sadd.s32 $0x500, s1;
	[smem:$0x7F5] =	sst s23  }
0x2b: {  	s13 =	simm.s32 $0x14100;
	s25 =	simm.s32 $0x14900;
	s15 =	simm.s32 $0x15100  }
0x2c: {  	s29 =	simm.s32 $0x16100;
	s31 =	simm.s32 $0x17100;
	[dreg:$0x5] =	wrdreg s6  }
0x2d: {  	s17 =	simm.s32 $0x100;
	s18 =	simm.s32 $0xC100;
	[dreg:$0x6] =	wrdreg s4  }
0x2e: {  	s19 =	simm.s32 $0x17900;
	s20 =	simm.s32 $0x20;
	[smem:$0x7F7] =	sst s13  }
0x2f: {  	s21 =	simm.s32 $0x18100;
	s22 =	simm.s32 $0x19100;
	[smem:$0x7F8] =	sst s25  }
0x30: {  	s23 =	simm.s32 $0x1;
	s6 =	simm.s32 $0x3100;
	[smem:$0x7F9] =	sst s15  }
0x31: {  	s4 =	sadd.s32 $0xC00, s0;
	s10 =	ssub.s32 s5, s16;
	[smem:$0x7FB] =	sst s29  }
0x32: {  	s5 =	sadd.s32 $0x100, s1;
	s15 =	simm.s32 $0x5;
	[smem:$0x7FD] =	sst s31  }
0x33: {  	[dreg:$0xc] =	wrdreg s6;
	s6 =	sor.u32 s30, s26;
	s10 =	smax.u32 s10, $0x1  }
0x34: {  	s26 =	simm.s32 $0x15900;
	s14 =	sshrl.u32 s6, $0x3;
	[smem:$0x7F4] =	sst s10  }
0x35: {  	s30 =	simm.s32 $0x16900;
	[smem:$0x7FA] =	sst s26;
	s6 =	smul.u32 $0x600, s14  }
0x36: {  	s16 =	simm.s32 $0x80;
	s25 =	simm.s32 $0x3;
	[smem:$0x7FC] =	sst s30  }
0x37: {  	v2 =	vlaneseq.u32;
	s26 =	simm.s32 $0x4;
	s13 =	sadd.s32 s14, s11;
	s12 =	sadd.s32 s6, s0  }
0x38: {  	vm0 =	vmmov $0xffff;
	v1 =	vshrl.u32 v2, $0x3;
	s14 =	sadd.s32 s14, s2;
	s6 =	sadd.s32 $0x200, s1;
	s24 =	sadd.s32 $0x44C00, s12  }
0x39: {  	v0 =	vand.u32 $0x7, v2;
	v2 =	vor.u32 $0x8, v2;
	v1 =	vmul.u32 $0x8, v1;
	s12 =	sadd.s32 $0x1C4C00, s12;
	[smem:$0x7F6] =	sst s24;
	s24 =	simm.s32 $0x2  }
.LBB2_1:
0x3a: {  	s29 =	smov.u32 s14;
	s30 =	smov.u32 s13  }
0x3b: {  	s31 =	smov.u32 s12;
	s11 =	sld [smem:$0x7F6];
	s2 =	simm.s32 $0x0  }
.LBB2_2:
0x3c: {  	[tilespmem:s3], [sflag:$0x5] =	stream.linear.gather [hbm4b:s29+s3], $0x20, $0x38;
	[tilespmem:$0x1A100] =	vst v63  }
0x3d: {  	_ =	swait.ge [sflag:s15], $0x20  }
0x3e: {  	[sflag:s15] =	ssyncset.done $0x0  }
0x3f: {  	[sflag:s15] =	ssyncadd.s32 $0xFFFFFFE0  }
0x40: {  	[tilespmem:s16], [sflag:$0x5] =	stream.linear.gather [hbm4b:s30+s3], $0x20, $0x38;
	[tilespmem:$0x1A100] =	vst v63  }
0x41: {  	_ =	swait.ge [sflag:s15], $0x20  }
0x42: {  	[sflag:s15] =	ssyncset.done $0x0  }
0x43: {  	[sflag:s15] =	ssyncadd.s32 $0xFFFFFFE0  }
0x44: {  	v3 =	vld [tilespmem:$0x0];
	_ =	sdelay $0x4  }
0x45: {  	v4 =	vshrl.u32 v3, $0x3  }
0x46: {  	v4 =	vmul.u32 $0x60, v4  }
0x47: {  	v3 =	vand.u32 $0x7, v3  }
0x48: {  	v3 =	vor.u32 v3, v4  }
0x49: {  	v4 =	vperm.xlane v3, v0;
	_ =	sdelay $0x1  }
0x4a: {  	v4 =	vadd.s32 v1, v4;
	_ =	sdelay $0x4  }
0x4b: {  	[tilespmem:s17], [sflag:$0x1] =	stream.indirect_vreg.gather [hbm4b:s1+s3], $0x80, v4, vm0, $0xb8;
	[tilespmem:$0x1A100] =	vst v63  }
0x4c: {  	s10 =	rddreg [dreg:$0x7]  }
0x4d: {  	[tilespmem:s10], [sflag:$0x1] =	stream.indirect_vreg.gather [hbm4b:s5+s3], $0x80, v4, vm0, $0xb8;
	[tilespmem:$0x1A100] =	vst v63  }
0x4e: {  	s0 =	rddreg [dreg:$0x8]  }
0x4f: {  	[tilespmem:s0], [sflag:$0x1] =	stream.indirect_vreg.gather [hbm4b:s6+s3], $0x80, v4, vm0, $0xb8;
	[tilespmem:$0x1A100] =	vst v63  }
0x50: {  	v3 =	vperm.xlane v3, v2;
	s10 =	rddreg [dreg:$0x9]  }
0x51: {  	[tilespmem:s10], [sflag:$0x1] =	stream.indirect_vreg.gather [hbm4b:s7+s3], $0x80, v4, vm0, $0xb8;
	[tilespmem:$0x1A100] =	vst v63  }
0x52: {  	v3 =	vadd.s32 v1, v3;
	s0 =	rddreg [dreg:$0xa]  }
0x53: {  	[tilespmem:s0], [sflag:$0x1] =	stream.indirect_vreg.gather [hbm4b:s8+s3], $0x80, v4, vm0, $0xb8;
	[tilespmem:$0x1A100] =	vst v63  }
0x54: {  	s10 =	rddreg [dreg:$0xb]  }
0x55: {  	[tilespmem:s10], [sflag:$0x1] =	stream.indirect_vreg.gather [hbm4b:s9+s3], $0x80, v4, vm0, $0xb8;
	[tilespmem:$0x1A100] =	vst v63  }
0x56: {  	s0 =	rddreg [dreg:$0xc]  }
0x57: {  	[tilespmem:s0], [sflag:$0x1] =	stream.indirect_vreg.gather [hbm4b:s1+s3], $0x80, v3, vm0, $0xb8;
	[tilespmem:$0x1A100] =	vst v63  }
0x58: {  	s10 =	rddreg [dreg:$0xd]  }
0x59: {  	[tilespmem:s10], [sflag:$0x1] =	stream.indirect_vreg.gather [hbm4b:s5+s3], $0x80, v3, vm0, $0xb8;
	[tilespmem:$0x1A100] =	vst v63  }
0x5a: {  	s0 =	rddreg [dreg:$0xe]  }
0x5b: {  	[tilespmem:s0], [sflag:$0x1] =	stream.indirect_vreg.gather [hbm4b:s6+s3], $0x80, v3, vm0, $0xb8;
	[tilespmem:$0x1A100] =	vst v63  }
0x5c: {  	s10 =	rddreg [dreg:$0xf]  }
0x5d: {  	[tilespmem:s10], [sflag:$0x1] =	stream.indirect_vreg.gather [hbm4b:s7+s3], $0x80, v3, vm0, $0xb8;
	[tilespmem:$0x1A100] =	vst v63  }
0x5e: {  	s0 =	rddreg [dreg:$0x10]  }
0x5f: {  	[tilespmem:s0], [sflag:$0x1] =	stream.indirect_vreg.gather [hbm4b:s8+s3], $0x80, v3, vm0, $0xb8;
	[tilespmem:$0x1A100] =	vst v63  }
0x60: {  	s10 =	rddreg [dreg:$0x11]  }
0x61: {  	[tilespmem:s10], [sflag:$0x1] =	stream.indirect_vreg.gather [hbm4b:s9+s3], $0x80, v3, vm0, $0xb8;
	[tilespmem:$0x1A100] =	vst v63  }
0x62: {  	v3 =	vld [tilespmem:$0x10];
	_ =	sdelay $0x4  }
0x63: {  	v61 =	vshrl.u32 v3, $0x3  }
0x64: {  	v4 =	vmul.u32 $0x60, v61  }
0x65: {  	v3 =	vand.u32 $0x7, v3  }
0x66: {  	v3 =	vor.u32 v3, v4  }
0x67: {  	v4 =	vperm.xlane v3, v0;
	_ =	sdelay $0x1  }
0x68: {  	v4 =	vadd.s32 v1, v4;
	_ =	sdelay $0x3  }
0x69: {  	s0 =	rddreg [dreg:$0x12]  }
0x6a: {  	[tilespmem:s0], [sflag:$0x1] =	stream.indirect_vreg.gather [hbm4b:s1+s3], $0x80, v4, vm0, $0xb8;
	[tilespmem:$0x1A100] =	vst v63  }
0x6b: {  	s10 =	rddreg [dreg:$0x13]  }
0x6c: {  	[tilespmem:s10], [sflag:$0x1] =	stream.indirect_vreg.gather [hbm4b:s5+s3], $0x80, v4, vm0, $0xb8;
	[tilespmem:$0x1A100] =	vst v63  }
0x6d: {  	s0 =	rddreg [dreg:$0x14]  }
0x6e: {  	[tilespmem:s0], [sflag:$0x1] =	stream.indirect_vreg.gather [hbm4b:s6+s3], $0x80, v4, vm0, $0xb8;
	[tilespmem:$0x1A100] =	vst v63  }
0x6f: {  	v3 =	vperm.xlane v3, v2;
	s10 =	rddreg [dreg:$0x15]  }
0x70: {  	[tilespmem:s10], [sflag:$0x1] =	stream.indirect_vreg.gather [hbm4b:s7+s3], $0x80, v4, vm0, $0xb8;
	[tilespmem:$0x1A100] =	vst v63  }
0x71: {  	v3 =	vadd.s32 v1, v3;
	s0 =	rddreg [dreg:$0x16]  }
0x72: {  	[tilespmem:s0], [sflag:$0x1] =	stream.indirect_vreg.gather [hbm4b:s8+s3], $0x80, v4, vm0, $0xb8;
	[tilespmem:$0x1A100] =	vst v63  }
0x73: {  	s10 =	rddreg [dreg:$0x17]  }
0x74: {  	[tilespmem:s10], [sflag:$0x1] =	stream.indirect_vreg.gather [hbm4b:s9+s3], $0x80, v4, vm0, $0xb8;
	[tilespmem:$0x1A100] =	vst v63  }
0x75: {  	s0 =	rddreg [dreg:$0x18]  }
0x76: {  	[tilespmem:s0], [sflag:$0x1] =	stream.indirect_vreg.gather [hbm4b:s1+s3], $0x80, v3, vm0, $0xb8;
	[tilespmem:$0x1A100] =	vst v63  }
0x77: {  	s10 =	rddreg [dreg:$0x19]  }
0x78: {  	[tilespmem:s10], [sflag:$0x1] =	stream.indirect_vreg.gather [hbm4b:s5+s3], $0x80, v3, vm0, $0xb8;
	[tilespmem:$0x1A100] =	vst v63  }
0x79: {  	s0 =	rddreg [dreg:$0x1a]  }
0x7a: {  	[tilespmem:s0], [sflag:$0x1] =	stream.indirect_vreg.gather [hbm4b:s6+s3], $0x80, v3, vm0, $0xb8;
	[tilespmem:$0x1A100] =	vst v63  }
0x7b: {  	s10 =	rddreg [dreg:$0x1b]  }
0x7c: {  	[tilespmem:s10], [sflag:$0x1] =	stream.indirect_vreg.gather [hbm4b:s7+s3], $0x80, v3, vm0, $0xb8;
	[tilespmem:$0x1A100] =	vst v63  }
0x7d: {  	s0 =	rddreg [dreg:$0x1c]  }
0x7e: {  	[tilespmem:s0], [sflag:$0x1] =	stream.indirect_vreg.gather [hbm4b:s8+s3], $0x80, v3, vm0, $0xb8;
	[tilespmem:$0x1A100] =	vst v63  }
0x7f: {  	s10 =	rddreg [dreg:$0x1d]  }
0x80: {  	[tilespmem:s10], [sflag:$0x1] =	stream.indirect_vreg.gather [hbm4b:s9+s3], $0x80, v3, vm0, $0xb8;
	[tilespmem:$0x1A100] =	vst v63  }
0x81: {  	v3 =	vld [tilespmem:$0x80];
	_ =	sdelay $0x4  }
0x82: {  	v62 =	vshrl.u32 v3, $0x3  }
0x83: {  	v4 =	vmul.u32 $0x60, v62  }
0x84: {  	v3 =	vand.u32 $0x7, v3  }
0x85: {  	v3 =	vor.u32 v3, v4  }
0x86: {  	v4 =	vperm.xlane v3, v0;
	_ =	sdelay $0x1  }
0x87: {  	v4 =	vadd.s32 v1, v4;
	_ =	sdelay $0x3  }
0x88: {  	s0 =	rddreg [dreg:$0x1e]  }
0x89: {  	[tilespmem:s18], [sflag:$0x2] =	stream.indirect_vreg.gather [hbm4b:s1+s3], $0x80, v4, vm0, $0xb8;
	[tilespmem:$0x1A100] =	vst v63  }
0x8a: {  	s10 =	rddreg [dreg:$0x1f]  }
0x8b: {  	[tilespmem:s0], [sflag:$0x2] =	stream.indirect_vreg.gather [hbm4b:s5+s3], $0x80, v4, vm0, $0xb8;
	[tilespmem:$0x1A100] =	vst v63  }
0x8c: {  	s0 =	sld [smem:$0x7E8]  }
0x8d: {  	[tilespmem:s10], [sflag:$0x2] =	stream.indirect_vreg.gather [hbm4b:s6+s3], $0x80, v4, vm0, $0xb8;
	[tilespmem:$0x1A100] =	vst v63  }
0x8e: {  	v3 =	vperm.xlane v3, v2;
	s10 =	sld [smem:$0x7E9]  }
0x8f: {  	[tilespmem:s0], [sflag:$0x2] =	stream.indirect_vreg.gather [hbm4b:s7+s3], $0x80, v4, vm0, $0xb8;
	[tilespmem:$0x1A100] =	vst v63  }
0x90: {  	v3 =	vadd.s32 v1, v3;
	s0 =	sld [smem:$0x7EA]  }
0x91: {  	[tilespmem:s10], [sflag:$0x2] =	stream.indirect_vreg.gather [hbm4b:s8+s3], $0x80, v4, vm0, $0xb8;
	[tilespmem:$0x1A100] =	vst v63  }
0x92: {  	s10 =	sld [smem:$0x7EB]  }
0x93: {  	[tilespmem:s0], [sflag:$0x2] =	stream.indirect_vreg.gather [hbm4b:s9+s3], $0x80, v4, vm0, $0xb8;
	[tilespmem:$0x1A100] =	vst v63  }
0x94: {  	s0 =	sld [smem:$0x7EC]  }
0x95: {  	[tilespmem:s10], [sflag:$0x2] =	stream.indirect_vreg.gather [hbm4b:s1+s3], $0x80, v3, vm0, $0xb8;
	[tilespmem:$0x1A100] =	vst v63  }
0x96: {  	s10 =	sld [smem:$0x7ED]  }
0x97: {  	[tilespmem:s0], [sflag:$0x2] =	stream.indirect_vreg.gather [hbm4b:s5+s3], $0x80, v3, vm0, $0xb8;
	[tilespmem:$0x1A100] =	vst v63  }
0x98: {  	s0 =	sld [smem:$0x7EE]  }
0x99: {  	[tilespmem:s10], [sflag:$0x2] =	stream.indirect_vreg.gather [hbm4b:s6+s3], $0x80, v3, vm0, $0xb8;
	[tilespmem:$0x1A100] =	vst v63  }
0x9a: {  	s10 =	sld [smem:$0x7EF]  }
0x9b: {  	[tilespmem:s0], [sflag:$0x2] =	stream.indirect_vreg.gather [hbm4b:s7+s3], $0x80, v3, vm0, $0xb8;
	[tilespmem:$0x1A100] =	vst v63  }
0x9c: {  	s0 =	sld [smem:$0x7F0]  }
0x9d: {  	[tilespmem:s10], [sflag:$0x2] =	stream.indirect_vreg.gather [hbm4b:s8+s3], $0x80, v3, vm0, $0xb8;
	[tilespmem:$0x1A100] =	vst v63  }
0x9e: {  	_ = 	snop  }
0x9f: {  	[tilespmem:s0], [sflag:$0x2] =	stream.indirect_vreg.gather [hbm4b:s9+s3], $0x80, v3, vm0, $0xb8;
	[tilespmem:$0x1A100] =	vst v63  }
0xa0: {  	v3 =	vld [tilespmem:$0x90];
	_ =	sdelay $0x4  }
0xa1: {  	v63 =	vshrl.u32 v3, $0x3  }
0xa2: {  	v4 =	vmul.u32 $0x60, v63  }
0xa3: {  	v3 =	vand.u32 $0x7, v3  }
0xa4: {  	v3 =	vor.u32 v3, v4  }
0xa5: {  	v4 =	vperm.xlane v3, v0;
	_ =	sdelay $0x1  }
0xa6: {  	v4 =	vadd.s32 v1, v4;
	_ =	sdelay $0x1  }
0xa7: {  	s0 =	sld [smem:$0x7F1];
	_ =	sdelay $0x1  }
0xa8: {  	s10 =	sld [smem:$0x7F2]  }
0xa9: {  	[tilespmem:s0], [sflag:$0x2] =	stream.indirect_vreg.gather [hbm4b:s1+s3], $0x80, v4, vm0, $0xb8;
	[tilespmem:$0x1A100] =	vst v63  }
0xaa: {  	s0 =	sld [smem:$0x7F3]  }
0xab: {  	[tilespmem:s10], [sflag:$0x2] =	stream.indirect_vreg.gather [hbm4b:s5+s3], $0x80, v4, vm0, $0xb8;
	[tilespmem:$0x1A100] =	vst v63  }
0xac: {  	s10 =	sld [smem:$0x7F5]  }
0xad: {  	[tilespmem:s0], [sflag:$0x2] =	stream.indirect_vreg.gather [hbm4b:s6+s3], $0x80, v4, vm0, $0xb8;
	[tilespmem:$0x1A100] =	vst v63  }
0xae: {  	v3 =	vperm.xlane v3, v2;
	s0 =	sld [smem:$0x7F7]  }
0xaf: {  	[tilespmem:s10], [sflag:$0x2] =	stream.indirect_vreg.gather [hbm4b:s7+s3], $0x80, v4, vm0, $0xb8;
	[tilespmem:$0x1A100] =	vst v63  }
0xb0: {  	v3 =	vadd.s32 v1, v3;
	s10 =	sld [smem:$0x7F8]  }
0xb1: {  	[tilespmem:s0], [sflag:$0x2] =	stream.indirect_vreg.gather [hbm4b:s8+s3], $0x80, v4, vm0, $0xb8;
	[tilespmem:$0x1A100] =	vst v63  }
0xb2: {  	s0 =	sld [smem:$0x7F9]  }
0xb3: {  	[tilespmem:s10], [sflag:$0x2] =	stream.indirect_vreg.gather [hbm4b:s9+s3], $0x80, v4, vm0, $0xb8;
	[tilespmem:$0x1A100] =	vst v63  }
0xb4: {  	s10 =	sld [smem:$0x7FA]  }
0xb5: {  	[tilespmem:s0], [sflag:$0x2] =	stream.indirect_vreg.gather [hbm4b:s1+s3], $0x80, v3, vm0, $0xb8;
	[tilespmem:$0x1A100] =	vst v63  }
0xb6: {  	s0 =	sld [smem:$0x7FB]  }
0xb7: {  	[tilespmem:s10], [sflag:$0x2] =	stream.indirect_vreg.gather [hbm4b:s5+s3], $0x80, v3, vm0, $0xb8;
	[tilespmem:$0x1A100] =	vst v63  }
0xb8: {  	s10 =	sld [smem:$0x7FC]  }
0xb9: {  	[tilespmem:s0], [sflag:$0x2] =	stream.indirect_vreg.gather [hbm4b:s6+s3], $0x80, v3, vm0, $0xb8;
	[tilespmem:$0x1A100] =	vst v63  }
0xba: {  	s0 =	sld [smem:$0x7FD]  }
0xbb: {  	[tilespmem:s10], [sflag:$0x2] =	stream.indirect_vreg.gather [hbm4b:s7+s3], $0x80, v3, vm0, $0xb8;
	[tilespmem:$0x1A100] =	vst v63  }
0xbc: {  	_ = 	snop  }
0xbd: {  	[tilespmem:s0], [sflag:$0x2] =	stream.indirect_vreg.gather [hbm4b:s8+s3], $0x80, v3, vm0, $0xb8;
	[tilespmem:$0x1A100] =	vst v63  }
0xbe: {  	_ = 	snop  }
0xbf: {  	[tilespmem:s19], [sflag:$0x2] =	stream.indirect_vreg.gather [hbm4b:s9+s3], $0x80, v3, vm0, $0xb8;
	[tilespmem:$0x1A100] =	vst v63  }
0xc0: {  	_ = 	snop  }
0xc1: {  	[tilespmem:s21], [sflag:$0x3] =	stream.indirect.gather [hbm4b:s4+s20], $0x80, s3, s20, $0xb8;
	[tilespmem:$0x1A100] =	vst v63  }
0xc2: {  	_ = 	snop  }
0xc3: {  	[tilespmem:s22], [sflag:$0x4] =	stream.indirect.gather [hbm4b:s4+s20], $0x80, s16, s20, $0xb8;
	[tilespmem:$0x1A100] =	vst v63  }
0xc4: {  	_ =	swait.ge [sflag:s23], $0xC000  }
0xc5: {  	[sflag:s23] =	ssyncset.done $0x0  }
0xc6: {  	[sflag:s23] =	ssyncadd.s32 $0xFFFF4000  }
0xc7: {  	_ =	swait.ge [sflag:s24], $0xC000  }
0xc8: {  	[sflag:s24] =	ssyncset.done $0x0  }
0xc9: {  	[sflag:s24] =	ssyncadd.s32 $0xFFFF4000  }
0xca: {  	_ =	swait.ge [sflag:s25], $0x1000  }
0xcb: {  	[sflag:s25] =	ssyncset.done $0x0  }
0xcc: {  	[sflag:s25] =	ssyncadd.s32 $0xFFFFF000  }
0xcd: {  	_ =	swait.ge [sflag:s26], $0x1000  }
0xce: {  	[sflag:s26] =	ssyncset.done $0x0  }
0xcf: {  	[sflag:s26] =	ssyncadd.s32 $0xFFFFF000  }
0xd0: {  	[hbm4b:s11+s3] =	stream.linear.scatter [tilespmem:s17], [sflag:$0x1], $0xC000, $0x38;
	[tilespmem:$0x1A100] =	vst v63  }
0xd1: {  	s0 =	rddreg [dreg:$0x5]  }
0xd2: {  	[hbm4b:s31+s3] =	stream.linear.scatter [tilespmem:s18], [sflag:$0x2], $0xC000, $0x38;
	[tilespmem:$0x1A100] =	vst v63  }
0xd3: {  	s10 =	rddreg [dreg:$0x6];
	s0 =	sadd.s32 s2, s0  }
0xd4: {  	[hbm4b:s0+s3] =	stream.linear.scatter [tilespmem:s21], [sflag:$0x3], $0x1000, $0x38;
	[tilespmem:$0x1A100] =	vst v63  }
0xd5: {  	s10 =	sadd.s32 s2, s10  }
0xd6: {  	[hbm4b:s10+s3] =	stream.linear.scatter [tilespmem:s22], [sflag:$0x4], $0x1000, $0x38;
	[tilespmem:$0x1A100] =	vst v63  }
0xd7: {  	_ =	swait.ge [sflag:s23], $0xC000  }
0xd8: {  	[sflag:s23] =	ssyncset.done $0x0  }
0xd9: {  	[sflag:s23] =	ssyncadd.s32 $0xFFFF4000  }
0xda: {  	_ =	swait.ge [sflag:s24], $0xC000  }
0xdb: {  	[sflag:s24] =	ssyncset.done $0x0  }
0xdc: {  	[sflag:s24] =	ssyncadd.s32 $0xFFFF4000  }
0xdd: {  	p0 =	sne.s32 s2, $0xE00;
	_ =	swait.ge [sflag:s25], $0x1000  }
.Ltmp0:
0xde: {  	[sflag:s25] =	ssyncset.done $0x0;
	(pc) =	sbr.rel @p0 .LBB2_2-.Ltmp0, $4  }
0xdf: {  	[sflag:s25] =	ssyncadd.s32 $0xFFFFF000  }
0xe0: {  	s29 =	sadd.s32 $0x4, s29;
	_ =	swait.ge [sflag:s26], $0x1000  }
0xe1: {  	s30 =	sadd.s32 $0x4, s30;
	s2 =	sadd.s32 $0x200, s2;
	[sflag:s26] =	ssyncset.done $0x0  }
0xe2: {  	s11 =	sadd.s32 $0x1800, s11;
	s31 =	sadd.s32 $0x1800, s31;
	[sflag:s26] =	ssyncadd.s32 $0xFFFFF000  }
0xe3: {  	s0 =	sld [smem:$0x7F4];
	_ =	sdelay $0x1  }
0xe4: {  	s28 =	sadd.s32 $0x1, s28  }
0xe5: {  	p0 =	sne.s32 s28, s0  }
.Ltmp1:
0xe6: {  	_ = 	snop;
	(pc) =	sbr.rel @p0 .LBB2_1-.Ltmp1, $1  }
0xe7: {  	_ =	sdelay $0x3  }
0xe8: {  	_ =	sfence.sel $0x180000  }
0xe9: {  	[bflag:$0x0] =	sbarrier.arrive $0xFFFF  }
0xea: {  	_ =	strace $0x90000047  }
0xeb: {  	s0 =	stileid.u32;
	[bflag:$0x2] =	sbarrier.arrive $0xFFFF  }
0xec: {  	p0 =	sne.s32 s0, $0x0;
	s0 =	rddreg [dreg:$0x4]  }
0xed: {  	s0 =	sadd.s32 @!p0 $0x100000, s0  }
0xee: {  	[sflag:s0] =	ssyncadd.tile.s32 @!p0 $0x1;
	_ =	shalt  }
.Lfunc_end2:
_tile_overlayer_lowered:
.L_overlay_start_2:
0xef: {  	(tag) =	ssettag $0x2  }
0xf0: {  	s0 =	rddreg [dreg:$0x0];
	s2 =	stileid.u32  }
0xf1: {  	s1 =	rddreg [dreg:$0x1];
	p0 =	sne.s32 s2, $0x0  }
0xf2: {  	s3 =	rddreg [dreg:$0x2];
	[bflag:$0x3] =	sbarrier.arrive $0xFFFF;
	s2 =	simm.s32 @!p0 $0x1C05  }
0xf3: {  	[timem:s3], [sflag:s2] =	dma.local @!p0 [hbm:s0], s1  }
0xf4: {  	s0 =	simm.s32 @!p0 $0x5  }
0xf5: {  	_ =	swait.ge @!p0 [sflag:s0], s1  }
0xf6: {  	s1 =	ssub.s32 @!p0 $0x0, s1;
	[sflag:s0] =	ssyncset.done @!p0 $0x0  }
0xf7: {  	[sflag:s0] =	ssyncadd.s32 @!p0 s1  }
0xf8: {  	[bflag:$0x3] =	sbarrier.arrive $0xFFFF  }
0xf9: {  	_ =	shalt  }

</sc_bundles>
